<compile_context>
chip_gen: v7x
topology: tpu7x:2x2x1
jax: 0.10.2.dev20260603
libtpu: 0.0.44.dev20260713+nightly
codegen_flags: <defaults>
</compile_context>

<pallas_src>
import functools

import numpy as np

import jax
import jax.numpy as jnp
from jax import lax
from jax.experimental import pallas as pl
from jax.experimental.pallas import tpu as pltpu
from jax.experimental.pallas import tpu_sc as plsc

_NC = 2
_NS = 16
_CHUNK = 128
_LANES = 16


def _sc_aggregate(xs, colw, n_pad):
    total_chunks = colw.shape[0]
    hc = xs.shape[2]
    n_chunks = total_chunks // _NS
    rows_per_tile = n_pad // _NS

    mesh = plsc.VectorSubcoreMesh(core_axis_name="c", subcore_axis_name="s")

    @functools.partial(
        pl.kernel,
        mesh=mesh,
        out_type=jax.ShapeDtypeStruct((_NC, n_pad, hc), jnp.float32),
        scratch_types=[
            pltpu.VMEM((4, 4, _CHUNK), jnp.int32),
            pltpu.VMEM((2, _CHUNK, hc), jnp.float32),
            pltpu.VMEM_SHARED((n_pad, hc), jnp.float32),
            pltpu.VMEM_SHARED((n_pad, hc), jnp.float32),
            pltpu.SemaphoreType.DMA,
            pltpu.SemaphoreType.DMA,
            pltpu.SemaphoreType.DMA,
            pltpu.SemaphoreType.DMA,
            pltpu.SemaphoreType.DMA,
            pltpu.SemaphoreType.DMA,
            pltpu.SemaphoreType.DMA,
            pltpu.SemaphoreType.DMA,
        ],
        compiler_params=pltpu.CompilerParams(needs_layout_passes=False,
                                             use_tc_tiling_on_sc=False),
    )
    def agg_kernel(xs_hbm, colw_hbm, zero_hbm, out_hbm,
                   colw_v, rows_v, xsh, acc_sh,
                   gsem0, gsem1, ssem0, ssem1,
                   isem0, isem1, isem2, isem3):
        cid = lax.axis_index("c")
        sid = lax.axis_index("s")
        gsems = (gsem0, gsem1)
        ssems = (ssem0, ssem1)
        isems = (isem0, isem1, isem2, isem3)
        slab = pl.ds(sid * rows_per_tile, rows_per_tile)
        tb = sid * n_chunks

        def colw_start(c, k):
            pltpu.async_copy(colw_hbm.at[tb + c], colw_v.at[k], isems[k])

        def colw_wait(k):
            pltpu.make_async_copy(colw_hbm.at[tb], colw_v.at[k],
                                  isems[k]).wait()

        def gather_start(k, b):
            pltpu.async_copy(xsh.at[colw_v.at[k, 0]], rows_v.at[b], gsems[b])

        def gather_wait(b):
            pltpu.make_async_copy(xsh.at[colw_v.at[0, 0]], rows_v.at[b],
                                  gsems[b]).wait()

        def scatter_start(k, b):
            pltpu.async_copy(rows_v.at[b], acc_sh.at[colw_v.at[k, 2]],
                             ssems[b], add=True)

        def scatter_wait(b):
            pltpu.make_async_copy(rows_v.at[b], acc_sh.at[colw_v.at[0, 2]],
                                  ssems[b]).wait()

        colw_start(0, 0)
        colw_start(1, 1)
        pltpu.sync_copy(xs_hbm.at[cid, slab], xsh.at[slab])
        pltpu.sync_copy(zero_hbm, acc_sh.at[slab])
        plsc.subcore_barrier()
        colw_wait(0)
        gather_start(0, 0)

        def quad_body(q, carry):
            for u in range(4):
                c = q * 4 + u
                b = u % 2
                nb = 1 - b
                k = u % 4

                gather_wait(b)

                @pl.when(c + 1 < n_chunks)
                def _():
                    colw_wait((u + 1) % 4)
                    if u == 0:
                        @pl.when(c >= 1)
                        def _():
                            scatter_wait(nb)
                    else:
                        scatter_wait(nb)
                    gather_start((u + 1) % 4, nb)

                    @pl.when(c + 2 < n_chunks)
                    def _():
                        colw_start(c + 2, (u + 2) % 4)

                @plsc.parallel_loop(0, _CHUNK, unroll=8)
                def _(e):
                    wb = plsc.bitcast(
                        plsc.load_gather(
                            colw_v, [jnp.full((_LANES,), k, jnp.int32),
                                     jnp.full((_LANES,), 1, jnp.int32),
                                     jnp.full((_LANES,), e, jnp.int32)]),
                        jnp.float32)
                    for j in range(hc // _LANES):
                        sl = rows_v[b, e, pl.ds(j * _LANES, _LANES)]
                        rows_v[b, e, pl.ds(j * _LANES, _LANES)] = sl * wb

                scatter_start(k, b)
            return carry

        lax.fori_loop(0, n_chunks // 4, quad_body, 0)
        scatter_wait(0)
        scatter_wait(1)
        plsc.subcore_barrier()
        pltpu.sync_copy(acc_sh.at[slab], out_hbm.at[cid, slab])

    zero = jnp.zeros((rows_per_tile, hc), jnp.float32)
    return agg_kernel(xs, colw, zero)


def _tc_linear(parts, W, b, n_nodes):
    hc = parts.shape[2]
    out_ch = W.shape[0]
    blk = 2000

    def mm_kernel(p_ref, w_ref, b_ref, o_ref):
        acc = jnp.concatenate([p_ref[0], p_ref[1]], axis=1)
        o_ref[...] = lax.dot_general(
            acc, w_ref[...], (((1,), (1,)), ((), ())),
            preferred_element_type=jnp.float32) + b_ref[...]

    return pl.pallas_call(
        mm_kernel,
        grid=(n_nodes // blk,),
        in_specs=[
            pl.BlockSpec((2, blk, hc), lambda i: (0, i, 0)),
            pl.BlockSpec((out_ch, 2 * hc), lambda i: (0, 0)),
            pl.BlockSpec((1, out_ch), lambda i: (0, 0)),
        ],
        out_specs=pl.BlockSpec((blk, out_ch), lambda i: (i, 0)),
        out_shape=jax.ShapeDtypeStruct((n_nodes, out_ch), jnp.float32),
    )(parts, W, b.reshape(1, out_ch))


def kernel(x, edge_index, edge_weight, W, b):
    n_nodes, in_ch = x.shape
    n_edges = edge_weight.shape[0]
    hc = in_ch // 2
    ei = edge_index.astype(jnp.int32)
    epad = (-n_edges) % (_NS * _CHUNK * 8 * 2)
    row = jnp.concatenate([ei[0], jnp.zeros((epad,), jnp.int32)])
    col = jnp.concatenate([ei[1], jnp.zeros((epad,), jnp.int32)])
    w = jnp.concatenate([edge_weight, jnp.zeros((epad,), jnp.float32)])
    colw = jnp.stack([col.reshape(-1, _CHUNK),
                      jax.lax.bitcast_convert_type(w, jnp.int32)
                      .reshape(-1, _CHUNK),
                      row.reshape(-1, _CHUNK),
                      row.reshape(-1, _CHUNK)], axis=1)
    n_pad = n_nodes + ((-n_nodes) % (_NS * 8))
    xp = jnp.pad(x, ((0, n_pad - n_nodes), (0, 0)))
    xs = jnp.stack([xp[:, :hc], xp[:, hc:]])
    parts = _sc_aggregate(xs, colw, n_pad)
    return _tc_linear(parts, W, b, n_nodes)

# --- scband reference (transcript-rebuilt; emitter-appended) ---
"""Pipeline reference for scband-gcnconv-88244398064424 (READ-ONLY COPY).

The authoritative reference and input builder live on the scoring server;
editing this copy changes nothing except your own understanding.
"""

import jax, jax.numpy as jnp
import numpy as np

N_NODES = 10000
N_EDGES = 320000
IN_CH = 128
OUT_CH = 128


def setup_inputs(seed: int = 0) -> dict:
    key = jax.random.key(seed)
    k1, k2, k3, k4 = jax.random.split(key, 4)
    x = jax.random.normal(k1, (N_NODES, IN_CH), dtype=jnp.float32)
    edge_index = jax.random.randint(k2, (2, N_EDGES), 0, N_NODES, dtype=jnp.int64)
    # normalized adjacency values (e.g., 1/sqrt(deg_i*deg_j)); use uniform positive weights
    edge_weight = jax.random.uniform(k3, (N_EDGES,), dtype=jnp.float32)
    # glorot init for linear weight [out, in]
    limit = float(np.sqrt(6.0 / (IN_CH + OUT_CH)))
    W = jax.random.uniform(k4, (OUT_CH, IN_CH), minval=-limit, maxval=limit, dtype=jnp.float32)
    b = jnp.zeros((OUT_CH,), dtype=jnp.float32)
    return {"x": x, "edge_index": edge_index, "edge_weight": edge_weight, "W": W, "b": b}


def reference(x, edge_index, edge_weight, W, b):
    # out = graph @ x  (sparse adjacency matmul via gather + scatter-add)
    row = edge_index[0]  # destination / output row
    col = edge_index[1]  # source node
    msgs = edge_weight[:, None] * jnp.take(x, col, axis=0)
    agg = jax.ops.segment_sum(msgs, row, num_segments=N_NODES)
    # self.lin(out) -- edge_attr is None so no concat branch
    return agg @ W.T + b

if __name__ == "__main__":
    import jax
    _d = setup_inputs()
    print(jax.jit(kernel)(*tuple(_d.values())))

</pallas_src>

<mosaic_0001>
#map = affine_map<(d0, d1) -> (0, 0, 0)>
#map1 = affine_map<(d0, d1) -> (0, 0)>
module attributes {stable_mosaic.version = 14 : i64} {
  func.func @agg_kernel(%arg0: i32, %arg1: i32, %arg2: memref<2x10112x64xf32, #tpu.memory_space<hbm>>, %arg3: memref<2560x4x128xi32, #tpu.memory_space<hbm>>, %arg4: memref<632x64xf32, #tpu.memory_space<hbm>>, %arg5: memref<2x10112x64xf32, #tpu.memory_space<hbm>>, %arg6: memref<4x4x128xi32, #tpu.memory_space<vmem>>, %arg7: memref<2x128x64xf32, #tpu.memory_space<vmem>>, %arg8: memref<10112x64xf32, #tpu.memory_space<vmem_shared>>, %arg9: memref<10112x64xf32, #tpu.memory_space<vmem_shared>>, %arg10: memref<!tpu.dma_semaphore, #tpu.memory_space<semaphore_mem>>, %arg11: memref<!tpu.dma_semaphore, #tpu.memory_space<semaphore_mem>>, %arg12: memref<!tpu.dma_semaphore, #tpu.memory_space<semaphore_mem>>, %arg13: memref<!tpu.dma_semaphore, #tpu.memory_space<semaphore_mem>>, %arg14: memref<!tpu.dma_semaphore, #tpu.memory_space<semaphore_mem>>, %arg15: memref<!tpu.dma_semaphore, #tpu.memory_space<semaphore_mem>>, %arg16: memref<!tpu.dma_semaphore, #tpu.memory_space<semaphore_mem>>, %arg17: memref<!tpu.dma_semaphore, #tpu.memory_space<semaphore_mem>>) attributes {dimension_semantics = [#tpu.dimension_semantics<core_parallel>, #tpu.dimension_semantics<subcore_parallel>], iteration_bounds = array<i64: 2, 16>, scalar_prefetch = 0 : i64, scratch_operands = 12 : i64, tpu.core_type = #tpu.core_type<sc_vector_subcore>, window_params = [{transform_indices = #map}, {transform_indices = #map}, {transform_indices = #map1}, {transform_indices = #map}]} {
    %mul3A = arith.constant 632 : i32
    %mul3A_0 = arith.muli %arg1, %mul3A : i32
    %mul3A_1 = arith.constant 160 : i32
    %mul3A_2 = arith.muli %arg1, %mul3A_1 : i32
    %add3A = arith.constant 0 : i32
    %add3A_3 = arith.addi %mul3A_2, %add3A : i32
    %dma_start3A = arith.constant 0 : i32
    %dma_start3A_4 = arith.constant 0 : i32
    %dma_start3A_5 = arith.constant 0 : i32
    %dma_start3A_6 = tpu.memref_slice %arg6[%dma_start3A, %dma_start3A_4, %dma_start3A_5] : memref<4x4x128xi32, #tpu.memory_space<vmem>> -> memref<1x4x128xi32, #tpu.memory_space<vmem>>
    %dma_start3A_7 = tpu.memref_squeeze %dma_start3A_6 : memref<1x4x128xi32, #tpu.memory_space<vmem>> -> memref<4x128xi32, #tpu.memory_space<vmem>>
    %dma_start3A_8 = arith.constant 0 : i32
    %dma_start3A_9 = arith.constant 0 : i32
    %dma_start3A_10 = tpu.memref_slice %arg3[%add3A_3, %dma_start3A_8, %dma_start3A_9] : memref<2560x4x128xi32, #tpu.memory_space<hbm>> -> memref<1x4x128xi32, #tpu.memory_space<hbm>>
    %dma_start3A_11 = tpu.memref_squeeze %dma_start3A_10 : memref<1x4x128xi32, #tpu.memory_space<hbm>> -> memref<4x128xi32, #tpu.memory_space<hbm>>
    %dma_start3A_12 = arith.constant 0 : i32
    %dma_start3A_13 = arith.constant 0 : i32
    %dma_start3A_14 = tpu.memref_slice %arg6[%dma_start3A, %dma_start3A_12, %dma_start3A_13] : memref<4x4x128xi32, #tpu.memory_space<vmem>> -> memref<1x4x128xi32, #tpu.memory_space<vmem>>
    %dma_start3A_15 = tpu.memref_squeeze %dma_start3A_14 : memref<1x4x128xi32, #tpu.memory_space<vmem>> -> memref<4x128xi32, #tpu.memory_space<vmem>>
    %dma_start3A_16 = arith.constant 0 : i32
    %dma_start3A_17 = arith.constant 0 : i32
    %dma_start3A_18 = tpu.memref_slice %arg3[%add3A_3, %dma_start3A_16, %dma_start3A_17] : memref<2560x4x128xi32, #tpu.memory_space<hbm>> -> memref<1x4x128xi32, #tpu.memory_space<hbm>>
    %dma_start3A_19 = tpu.memref_squeeze %dma_start3A_18 : memref<1x4x128xi32, #tpu.memory_space<hbm>> -> memref<4x128xi32, #tpu.memory_space<hbm>>
    tpu.enqueue_dma source(%dma_start3A_19 : memref<4x128xi32, #tpu.memory_space<hbm>>) target(%dma_start3A_15 : memref<4x128xi32, #tpu.memory_space<vmem>>) target_semaphore(%arg14 : memref<!tpu.dma_semaphore, #tpu.memory_space<semaphore_mem>>)
    %add3A_20 = arith.constant 1 : i32
    %add3A_21 = arith.addi %mul3A_2, %add3A_20 : i32
    %dma_start3A_22 = arith.constant 1 : i32
    %dma_start3A_23 = arith.constant 0 : i32
    %dma_start3A_24 = arith.constant 0 : i32
    %dma_start3A_25 = tpu.memref_slice %arg6[%dma_start3A_22, %dma_start3A_23, %dma_start3A_24] : memref<4x4x128xi32, #tpu.memory_space<vmem>> -> memref<1x4x128xi32, #tpu.memory_space<vmem>>
    %dma_start3A_26 = tpu.memref_squeeze %dma_start3A_25 : memref<1x4x128xi32, #tpu.memory_space<vmem>> -> memref<4x128xi32, #tpu.memory_space<vmem>>
    %dma_start3A_27 = arith.constant 0 : i32
    %dma_start3A_28 = arith.constant 0 : i32
    %dma_start3A_29 = tpu.memref_slice %arg3[%add3A_21, %dma_start3A_27, %dma_start3A_28] : memref<2560x4x128xi32, #tpu.memory_space<hbm>> -> memref<1x4x128xi32, #tpu.memory_space<hbm>>
    %dma_start3A_30 = tpu.memref_squeeze %dma_start3A_29 : memref<1x4x128xi32, #tpu.memory_space<hbm>> -> memref<4x128xi32, #tpu.memory_space<hbm>>
    %dma_start3A_31 = arith.constant 0 : i32
    %dma_start3A_32 = arith.constant 0 : i32
    %dma_start3A_33 = tpu.memref_slice %arg6[%dma_start3A_22, %dma_start3A_31, %dma_start3A_32] : memref<4x4x128xi32, #tpu.memory_space<vmem>> -> memref<1x4x128xi32, #tpu.memory_space<vmem>>
    %dma_start3A_34 = tpu.memref_squeeze %dma_start3A_33 : memref<1x4x128xi32, #tpu.memory_space<vmem>> -> memref<4x128xi32, #tpu.memory_space<vmem>>
    %dma_start3A_35 = arith.constant 0 : i32
    %dma_start3A_36 = arith.constant 0 : i32
    %dma_start3A_37 = tpu.memref_slice %arg3[%add3A_21, %dma_start3A_35, %dma_start3A_36] : memref<2560x4x128xi32, #tpu.memory_space<hbm>> -> memref<1x4x128xi32, #tpu.memory_space<hbm>>
    %dma_start3A_38 = tpu.memref_squeeze %dma_start3A_37 : memref<1x4x128xi32, #tpu.memory_space<hbm>> -> memref<4x128xi32, #tpu.memory_space<hbm>>
    tpu.enqueue_dma source(%dma_start3A_38 : memref<4x128xi32, #tpu.memory_space<hbm>>) target(%dma_start3A_34 : memref<4x128xi32, #tpu.memory_space<vmem>>) target_semaphore(%arg15 : memref<!tpu.dma_semaphore, #tpu.memory_space<semaphore_mem>>)
    "tpu.region"() ({
      %run_scoped3A = tpu.sem_alloc : memref<!tpu.dma_semaphore, #tpu.memory_space<semaphore_mem>>
      %dma_start3A_100 = arith.constant 0 : i32
      %dma_start3A_101 = tpu.memref_slice %arg8[%mul3A_0, %dma_start3A_100] : memref<10112x64xf32, #tpu.memory_space<vmem_shared>> -> memref<632x64xf32, #tpu.memory_space<vmem_shared>>
      %dma_start3A_102 = arith.constant 0 : i32
      %dma_start3A_103 = tpu.memref_slice %arg2[%arg0, %mul3A_0, %dma_start3A_102] : memref<2x10112x64xf32, #tpu.memory_space<hbm>> -> memref<1x632x64xf32, #tpu.memory_space<hbm>>
      %dma_start3A_104 = tpu.memref_squeeze %dma_start3A_103 : memref<1x632x64xf32, #tpu.memory_space<hbm>> -> memref<632x64xf32, #tpu.memory_space<hbm>>
      tpu.enqueue_dma source(%dma_start3A_104 : memref<632x64xf32, #tpu.memory_space<hbm>>) target(%dma_start3A_101 : memref<632x64xf32, #tpu.memory_space<vmem_shared>>) target_semaphore(%run_scoped3A : memref<!tpu.dma_semaphore, #tpu.memory_space<semaphore_mem>>)
      %dma_wait3A_105 = arith.constant 0 : i32
      %dma_wait3A_106 = tpu.memref_slice %arg8[%mul3A_0, %dma_wait3A_105] : memref<10112x64xf32, #tpu.memory_space<vmem_shared>> -> memref<632x64xf32, #tpu.memory_space<vmem_shared>>
      %dma_wait3A_107 = arith.constant 0 : i32
      %dma_wait3A_108 = tpu.memref_slice %arg2[%arg0, %mul3A_0, %dma_wait3A_107] : memref<2x10112x64xf32, #tpu.memory_space<hbm>> -> memref<1x632x64xf32, #tpu.memory_space<hbm>>
      %dma_wait3A_109 = tpu.memref_squeeze %dma_wait3A_108 : memref<1x632x64xf32, #tpu.memory_space<hbm>> -> memref<632x64xf32, #tpu.memory_space<hbm>>
      tpu.wait_dma2 semaphore(%run_scoped3A : memref<!tpu.dma_semaphore, #tpu.memory_space<semaphore_mem>>) src(%dma_wait3A_109 : memref<632x64xf32, #tpu.memory_space<hbm>>) dst(%dma_wait3A_106 : memref<632x64xf32, #tpu.memory_space<vmem_shared>>)
      tpu.yield
    }) : () -> ()
    "tpu.region"() ({
      %run_scoped3A = tpu.sem_alloc : memref<!tpu.dma_semaphore, #tpu.memory_space<semaphore_mem>>
      %dma_start3A_100 = arith.constant 0 : i32
      %dma_start3A_101 = tpu.memref_slice %arg9[%mul3A_0, %dma_start3A_100] : memref<10112x64xf32, #tpu.memory_space<vmem_shared>> -> memref<632x64xf32, #tpu.memory_space<vmem_shared>>
      tpu.enqueue_dma source(%arg4 : memref<632x64xf32, #tpu.memory_space<hbm>>) target(%dma_start3A_101 : memref<632x64xf32, #tpu.memory_space<vmem_shared>>) target_semaphore(%run_scoped3A : memref<!tpu.dma_semaphore, #tpu.memory_space<semaphore_mem>>)
      %dma_wait3A_102 = arith.constant 0 : i32
      %dma_wait3A_103 = tpu.memref_slice %arg9[%mul3A_0, %dma_wait3A_102] : memref<10112x64xf32, #tpu.memory_space<vmem_shared>> -> memref<632x64xf32, #tpu.memory_space<vmem_shared>>
      tpu.wait_dma2 semaphore(%run_scoped3A : memref<!tpu.dma_semaphore, #tpu.memory_space<semaphore_mem>>) src(%arg4 : memref<632x64xf32, #tpu.memory_space<hbm>>) dst(%dma_wait3A_103 : memref<632x64xf32, #tpu.memory_space<vmem_shared>>)
      tpu.yield
    }) : () -> ()
    %barrier3A = arith.constant 0 : index
    tpu.barrier barrier_id(%barrier3A)
    %dma_wait3A = arith.constant 0 : i32
    %dma_wait3A_39 = arith.constant 0 : i32
    %dma_wait3A_40 = arith.constant 0 : i32
    %dma_wait3A_41 = tpu.memref_slice %arg6[%dma_wait3A, %dma_wait3A_39, %dma_wait3A_40] : memref<4x4x128xi32, #tpu.memory_space<vmem>> -> memref<1x4x128xi32, #tpu.memory_space<vmem>>
    %dma_wait3A_42 = tpu.memref_squeeze %dma_wait3A_41 : memref<1x4x128xi32, #tpu.memory_space<vmem>> -> memref<4x128xi32, #tpu.memory_space<vmem>>
    %dma_wait3A_43 = arith.constant 0 : i32
    %dma_wait3A_44 = arith.constant 0 : i32
    %dma_wait3A_45 = tpu.memref_slice %arg3[%mul3A_2, %dma_wait3A_43, %dma_wait3A_44] : memref<2560x4x128xi32, #tpu.memory_space<hbm>> -> memref<1x4x128xi32, #tpu.memory_space<hbm>>
    %dma_wait3A_46 = tpu.memref_squeeze %dma_wait3A_45 : memref<1x4x128xi32, #tpu.memory_space<hbm>> -> memref<4x128xi32, #tpu.memory_space<hbm>>
    %dma_wait3A_47 = arith.constant 0 : i32
    %dma_wait3A_48 = arith.constant 0 : i32
    %dma_wait3A_49 = tpu.memref_slice %arg6[%dma_wait3A, %dma_wait3A_47, %dma_wait3A_48] : memref<4x4x128xi32, #tpu.memory_space<vmem>> -> memref<1x4x128xi32, #tpu.memory_space<vmem>>
    %dma_wait3A_50 = tpu.memref_squeeze %dma_wait3A_49 : memref<1x4x128xi32, #tpu.memory_space<vmem>> -> memref<4x128xi32, #tpu.memory_space<vmem>>
    %dma_wait3A_51 = arith.constant 0 : i32
    %dma_wait3A_52 = arith.constant 0 : i32
    %dma_wait3A_53 = tpu.memref_slice %arg3[%mul3A_2, %dma_wait3A_51, %dma_wait3A_52] : memref<2560x4x128xi32, #tpu.memory_space<hbm>> -> memref<1x4x128xi32, #tpu.memory_space<hbm>>
    %dma_wait3A_54 = tpu.memref_squeeze %dma_wait3A_53 : memref<1x4x128xi32, #tpu.memory_space<hbm>> -> memref<4x128xi32, #tpu.memory_space<hbm>>
    tpu.wait_dma2 semaphore(%arg14 : memref<!tpu.dma_semaphore, #tpu.memory_space<semaphore_mem>>) src(%dma_wait3A_54 : memref<4x128xi32, #tpu.memory_space<hbm>>) dst(%dma_wait3A_50 : memref<4x128xi32, #tpu.memory_space<vmem>>)
    %dma_start3A_55 = arith.constant 0 : i32
    %dma_start3A_56 = arith.constant 0 : i32
    %dma_start3A_57 = arith.constant 0 : i32
    %dma_start3A_58 = arith.constant 0 : i32
    %dma_start3A_59 = arith.constant 0 : i32
    %dma_start3A_60 = tpu.memref_slice %arg7[%dma_start3A_57, %dma_start3A_58, %dma_start3A_59] : memref<2x128x64xf32, #tpu.memory_space<vmem>> -> memref<1x128x64xf32, #tpu.memory_space<vmem>>
    %dma_start3A_61 = tpu.memref_squeeze %dma_start3A_60 : memref<1x128x64xf32, #tpu.memory_space<vmem>> -> memref<128x64xf32, #tpu.memory_space<vmem>>
    %dma_start3A_62 = arith.constant 0 : i32
    %dma_start3A_63 = tpu.memref_slice %arg6[%dma_start3A_55, %dma_start3A_56, %dma_start3A_62] : memref<4x4x128xi32, #tpu.memory_space<vmem>> -> memref<1x1x128xi32, #tpu.memory_space<vmem>>
    %dma_start3A_64 = tpu.memref_squeeze %dma_start3A_63 : memref<1x1x128xi32, #tpu.memory_space<vmem>> -> memref<128xi32, #tpu.memory_space<vmem>>
    %dma_start3A_65 = arith.constant 0 : i32
    %dma_start3A_66 = arith.constant 0 : i32
    %dma_start3A_67 = tpu.memref_slice %arg8[%dma_start3A_65, %dma_start3A_66] : memref<10112x64xf32, #tpu.memory_space<vmem_shared>> -> memref<10112x64xf32, #tpu.memory_space<vmem_shared>>
    tpu.enqueue_indirect_dma source(%dma_start3A_67 : memref<10112x64xf32, #tpu.memory_space<vmem_shared>>) target(%dma_start3A_61 : memref<128x64xf32, #tpu.memory_space<vmem>>) offsets(%dma_start3A_64 : memref<128xi32, #tpu.memory_space<vmem>>) semaphore(%arg10 : memref<!tpu.dma_semaphore, #tpu.memory_space<semaphore_mem>>)
    %scan3A = arith.constant 0 : i32
    %scan3A_68 = arith.constant 0 : i32
    %scan3A_69 = arith.constant 40 : i32
    %scan3A_70 = arith.addi %scan3A_68, %scan3A_69 : i32
    %scan3A_71 = arith.constant 1 : i32
    scf.for %scan3A_100 = %scan3A_68 to %scan3A_70 step %scan3A_71  : i32 {
      %mul3A_101 = arith.constant 4 : i32
      %mul3A_102 = arith.muli %scan3A_100, %mul3A_101 : i32
      %add3A_103 = arith.constant 0 : i32
      %add3A_104 = arith.addi %mul3A_102, %add3A_103 : i32
      %dma_wait3A_105 = arith.constant 0 : i32
      %dma_wait3A_106 = arith.constant 0 : i32
      %dma_wait3A_107 = arith.constant 0 : i32
      %dma_wait3A_108 = arith.constant 0 : i32
      %dma_wait3A_109 = arith.constant 0 : i32
      %dma_wait3A_110 = tpu.memref_slice %arg7[%dma_wait3A_107, %dma_wait3A_108, %dma_wait3A_109] : memref<2x128x64xf32, #tpu.memory_space<vmem>> -> memref<1x128x64xf32, #tpu.memory_space<vmem>>
      %dma_wait3A_111 = tpu.memref_squeeze %dma_wait3A_110 : memref<1x128x64xf32, #tpu.memory_space<vmem>> -> memref<128x64xf32, #tpu.memory_space<vmem>>
      %dma_wait3A_112 = arith.constant 0 : i32
      %dma_wait3A_113 = tpu.memref_slice %arg6[%dma_wait3A_105, %dma_wait3A_106, %dma_wait3A_112] : memref<4x4x128xi32, #tpu.memory_space<vmem>> -> memref<1x1x128xi32, #tpu.memory_space<vmem>>
      %dma_wait3A_114 = tpu.memref_squeeze %dma_wait3A_113 : memref<1x1x128xi32, #tpu.memory_space<vmem>> -> memref<128xi32, #tpu.memory_space<vmem>>
      %dma_wait3A_115 = arith.constant 0 : i32
      %dma_wait3A_116 = arith.constant 0 : i32
      %dma_wait3A_117 = tpu.memref_slice %arg8[%dma_wait3A_115, %dma_wait3A_116] : memref<10112x64xf32, #tpu.memory_space<vmem_shared>> -> memref<10112x64xf32, #tpu.memory_space<vmem_shared>>
      tpu.wait_indirect_dma semaphore(%arg10 : memref<!tpu.dma_semaphore, #tpu.memory_space<semaphore_mem>>) src(%dma_wait3A_117 : memref<10112x64xf32, #tpu.memory_space<vmem_shared>>) dst(%dma_wait3A_111 : memref<128x64xf32, #tpu.memory_space<vmem>>)
      %add3A_118 = arith.constant 1 : i32
      %add3A_119 = arith.addi %add3A_104, %add3A_118 : i32
      %lt3A = arith.constant 160 : i32
      %lt3A_120 = arith.cmpi slt, %add3A_119, %lt3A : i32
      %convert_element_type3A = arith.extui %lt3A_120 : i1 to i32
      %cond3A = arith.constant 0 : i32
      %cond3A_121 = arith.cmpi ne, %convert_element_type3A, %cond3A : i32
      scf.if %cond3A_121 {
        %dma_wait3A_257 = arith.constant 1 : i32
        %dma_wait3A_258 = arith.constant 0 : i32
        %dma_wait3A_259 = arith.constant 0 : i32
        %dma_wait3A_260 = tpu.memref_slice %arg6[%dma_wait3A_257, %dma_wait3A_258, %dma_wait3A_259] : memref<4x4x128xi32, #tpu.memory_space<vmem>> -> memref<1x4x128xi32, #tpu.memory_space<vmem>>
        %dma_wait3A_261 = tpu.memref_squeeze %dma_wait3A_260 : memref<1x4x128xi32, #tpu.memory_space<vmem>> -> memref<4x128xi32, #tpu.memory_space<vmem>>
        %dma_wait3A_262 = arith.constant 0 : i32
        %dma_wait3A_263 = arith.constant 0 : i32
        %dma_wait3A_264 = tpu.memref_slice %arg3[%mul3A_2, %dma_wait3A_262, %dma_wait3A_263] : memref<2560x4x128xi32, #tpu.memory_space<hbm>> -> memref<1x4x128xi32, #tpu.memory_space<hbm>>
        %dma_wait3A_265 = tpu.memref_squeeze %dma_wait3A_264 : memref<1x4x128xi32, #tpu.memory_space<hbm>> -> memref<4x128xi32, #tpu.memory_space<hbm>>
        %dma_wait3A_266 = arith.constant 0 : i32
        %dma_wait3A_267 = arith.constant 0 : i32
        %dma_wait3A_268 = tpu.memref_slice %arg6[%dma_wait3A_257, %dma_wait3A_266, %dma_wait3A_267] : memref<4x4x128xi32, #tpu.memory_space<vmem>> -> memref<1x4x128xi32, #tpu.memory_space<vmem>>
        %dma_wait3A_269 = tpu.memref_squeeze %dma_wait3A_268 : memref<1x4x128xi32, #tpu.memory_space<vmem>> -> memref<4x128xi32, #tpu.memory_space<vmem>>
        %dma_wait3A_270 = arith.constant 0 : i32
        %dma_wait3A_271 = arith.constant 0 : i32
        %dma_wait3A_272 = tpu.memref_slice %arg3[%mul3A_2, %dma_wait3A_270, %dma_wait3A_271] : memref<2560x4x128xi32, #tpu.memory_space<hbm>> -> memref<1x4x128xi32, #tpu.memory_space<hbm>>
        %dma_wait3A_273 = tpu.memref_squeeze %dma_wait3A_272 : memref<1x4x128xi32, #tpu.memory_space<hbm>> -> memref<4x128xi32, #tpu.memory_space<hbm>>
        tpu.wait_dma2 semaphore(%arg15 : memref<!tpu.dma_semaphore, #tpu.memory_space<semaphore_mem>>) src(%dma_wait3A_273 : memref<4x128xi32, #tpu.memory_space<hbm>>) dst(%dma_wait3A_269 : memref<4x128xi32, #tpu.memory_space<vmem>>)
        %ge3A = arith.constant 1 : i32
        %ge3A_274 = arith.cmpi sge, %add3A_104, %ge3A : i32
        %convert_element_type3A_275 = arith.extui %ge3A_274 : i1 to i32
        %cond3A_276 = arith.constant 0 : i32
        %cond3A_277 = arith.cmpi ne, %convert_element_type3A_275, %cond3A_276 : i32
        scf.if %cond3A_277 {
          %dma_wait3A_298 = arith.constant 1 : i32
          %dma_wait3A_299 = arith.constant 0 : i32
          %dma_wait3A_300 = arith.constant 2 : i32
          %dma_wait3A_301 = arith.constant 0 : i32
          %dma_wait3A_302 = arith.constant 0 : i32
          %dma_wait3A_303 = tpu.memref_slice %arg7[%dma_wait3A_298, %dma_wait3A_301, %dma_wait3A_302] : memref<2x128x64xf32, #tpu.memory_space<vmem>> -> memref<1x128x64xf32, #tpu.memory_space<vmem>>
          %dma_wait3A_304 = tpu.memref_squeeze %dma_wait3A_303 : memref<1x128x64xf32, #tpu.memory_space<vmem>> -> memref<128x64xf32, #tpu.memory_space<vmem>>
          %dma_wait3A_305 = arith.constant 0 : i32
          %dma_wait3A_306 = tpu.memref_slice %arg6[%dma_wait3A_299, %dma_wait3A_300, %dma_wait3A_305] : memref<4x4x128xi32, #tpu.memory_space<vmem>> -> memref<1x1x128xi32, #tpu.memory_space<vmem>>
          %dma_wait3A_307 = tpu.memref_squeeze %dma_wait3A_306 : memref<1x1x128xi32, #tpu.memory_space<vmem>> -> memref<128xi32, #tpu.memory_space<vmem>>
          %dma_wait3A_308 = arith.constant 0 : i32
          %dma_wait3A_309 = arith.constant 0 : i32
          %dma_wait3A_310 = tpu.memref_slice %arg9[%dma_wait3A_308, %dma_wait3A_309] : memref<10112x64xf32, #tpu.memory_space<vmem_shared>> -> memref<10112x64xf32, #tpu.memory_space<vmem_shared>>
          tpu.wait_indirect_dma semaphore(%arg13 : memref<!tpu.dma_semaphore, #tpu.memory_space<semaphore_mem>>) src(%dma_wait3A_304 : memref<128x64xf32, #tpu.memory_space<vmem>>) dst(%dma_wait3A_310 : memref<10112x64xf32, #tpu.memory_space<vmem_shared>>)
        } else {
        }
        %dma_start3A_278 = arith.constant 1 : i32
        %dma_start3A_279 = arith.constant 0 : i32
        %dma_start3A_280 = arith.constant 1 : i32
        %dma_start3A_281 = arith.constant 0 : i32
        %dma_start3A_282 = arith.constant 0 : i32
        %dma_start3A_283 = tpu.memref_slice %arg7[%dma_start3A_280, %dma_start3A_281, %dma_start3A_282] : memref<2x128x64xf32, #tpu.memory_space<vmem>> -> memref<1x128x64xf32, #tpu.memory_space<vmem>>
        %dma_start3A_284 = tpu.memref_squeeze %dma_start3A_283 : memref<1x128x64xf32, #tpu.memory_space<vmem>> -> memref<128x64xf32, #tpu.memory_space<vmem>>
        %dma_start3A_285 = arith.constant 0 : i32
        %dma_start3A_286 = tpu.memref_slice %arg6[%dma_start3A_278, %dma_start3A_279, %dma_start3A_285] : memref<4x4x128xi32, #tpu.memory_space<vmem>> -> memref<1x1x128xi32, #tpu.memory_space<vmem>>
        %dma_start3A_287 = tpu.memref_squeeze %dma_start3A_286 : memref<1x1x128xi32, #tpu.memory_space<vmem>> -> memref<128xi32, #tpu.memory_space<vmem>>
        %dma_start3A_288 = arith.constant 0 : i32
        %dma_start3A_289 = arith.constant 0 : i32
        %dma_start3A_290 = tpu.memref_slice %arg8[%dma_start3A_288, %dma_start3A_289] : memref<10112x64xf32, #tpu.memory_space<vmem_shared>> -> memref<10112x64xf32, #tpu.memory_space<vmem_shared>>
        tpu.enqueue_indirect_dma source(%dma_start3A_290 : memref<10112x64xf32, #tpu.memory_space<vmem_shared>>) target(%dma_start3A_284 : memref<128x64xf32, #tpu.memory_space<vmem>>) offsets(%dma_start3A_287 : memref<128xi32, #tpu.memory_space<vmem>>) semaphore(%arg11 : memref<!tpu.dma_semaphore, #tpu.memory_space<semaphore_mem>>)
        %add3A_291 = arith.constant 2 : i32
        %add3A_292 = arith.addi %add3A_104, %add3A_291 : i32
        %lt3A_293 = arith.constant 160 : i32
        %lt3A_294 = arith.cmpi slt, %add3A_292, %lt3A_293 : i32
        %convert_element_type3A_295 = arith.extui %lt3A_294 : i1 to i32
        %cond3A_296 = arith.constant 0 : i32
        %cond3A_297 = arith.cmpi ne, %convert_element_type3A_295, %cond3A_296 : i32
        scf.if %cond3A_297 {
          %add3A_298 = arith.constant 2 : i32
          %add3A_299 = arith.addi %add3A_104, %add3A_298 : i32
          %add3A_300 = arith.addi %mul3A_2, %add3A_299 : i32
          %dma_start3A_301 = arith.constant 2 : i32
          %dma_start3A_302 = arith.constant 0 : i32
          %dma_start3A_303 = arith.constant 0 : i32
          %dma_start3A_304 = tpu.memref_slice %arg6[%dma_start3A_301, %dma_start3A_302, %dma_start3A_303] : memref<4x4x128xi32, #tpu.memory_space<vmem>> -> memref<1x4x128xi32, #tpu.memory_space<vmem>>
          %dma_start3A_305 = tpu.memref_squeeze %dma_start3A_304 : memref<1x4x128xi32, #tpu.memory_space<vmem>> -> memref<4x128xi32, #tpu.memory_space<vmem>>
          %dma_start3A_306 = arith.constant 0 : i32
          %dma_start3A_307 = arith.constant 0 : i32
          %dma_start3A_308 = tpu.memref_slice %arg3[%add3A_300, %dma_start3A_306, %dma_start3A_307] : memref<2560x4x128xi32, #tpu.memory_space<hbm>> -> memref<1x4x128xi32, #tpu.memory_space<hbm>>
          %dma_start3A_309 = tpu.memref_squeeze %dma_start3A_308 : memref<1x4x128xi32, #tpu.memory_space<hbm>> -> memref<4x128xi32, #tpu.memory_space<hbm>>
          %dma_start3A_310 = arith.constant 0 : i32
          %dma_start3A_311 = arith.constant 0 : i32
          %dma_start3A_312 = tpu.memref_slice %arg6[%dma_start3A_301, %dma_start3A_310, %dma_start3A_311] : memref<4x4x128xi32, #tpu.memory_space<vmem>> -> memref<1x4x128xi32, #tpu.memory_space<vmem>>
          %dma_start3A_313 = tpu.memref_squeeze %dma_start3A_312 : memref<1x4x128xi32, #tpu.memory_space<vmem>> -> memref<4x128xi32, #tpu.memory_space<vmem>>
          %dma_start3A_314 = arith.constant 0 : i32
          %dma_start3A_315 = arith.constant 0 : i32
          %dma_start3A_316 = tpu.memref_slice %arg3[%add3A_300, %dma_start3A_314, %dma_start3A_315] : memref<2560x4x128xi32, #tpu.memory_space<hbm>> -> memref<1x4x128xi32, #tpu.memory_space<hbm>>
          %dma_start3A_317 = tpu.memref_squeeze %dma_start3A_316 : memref<1x4x128xi32, #tpu.memory_space<hbm>> -> memref<4x128xi32, #tpu.memory_space<hbm>>
          tpu.enqueue_dma source(%dma_start3A_317 : memref<4x128xi32, #tpu.memory_space<hbm>>) target(%dma_start3A_313 : memref<4x128xi32, #tpu.memory_space<vmem>>) target_semaphore(%arg16 : memref<!tpu.dma_semaphore, #tpu.memory_space<semaphore_mem>>)
        } else {
        }
      } else {
      }
      %parallel_loop3A = arith.constant 0 : i32
      %parallel_loop3A_122 = arith.constant 128 : i32
      %parallel_loop3A_123 = arith.constant 1 : i32
      scf.for %parallel_loop3A_257 = %parallel_loop3A to %parallel_loop3A_122 step %parallel_loop3A_123  : i32 {
        %parallel_loop3A_258 = arith.constant 0 : i32
        %parallel_loop3A_259 = vector.broadcast %parallel_loop3A_258 : i32 to vector<16xi32>
        %parallel_loop3A_260 = arith.constant 1 : i32
        %parallel_loop3A_261 = vector.broadcast %parallel_loop3A_260 : i32 to vector<16xi32>
        %parallel_loop3A_262 = vector.broadcast %parallel_loop3A_257 : i32 to vector<16xi32>
        %parallel_loop3A_263 = tpu.vector_load_idx %arg6[%parallel_loop3A_259, %parallel_loop3A_261, %parallel_loop3A_262] : memref<4x4x128xi32, #tpu.memory_space<vmem>>[vector<16xi32>, vector<16xi32>, vector<16xi32>], vector<16xi32>,
        %parallel_loop3A_264 = vector.bitcast %parallel_loop3A_263 : vector<16xi32> to vector<16xf32>
        %parallel_loop3A_265 = arith.constant 0 : i32
        %parallel_loop3A_266 = arith.index_cast %parallel_loop3A_265 : i32 to index
        %parallel_loop3A_267 = arith.index_cast %parallel_loop3A_257 : i32 to index
        %parallel_loop3A_268 = arith.constant 0 : index
        %parallel_loop3A_269 = tpu.vector_load %arg7[%parallel_loop3A_266, %parallel_loop3A_267, %parallel_loop3A_268] {strides = array<i32>} : memref<2x128x64xf32, #tpu.memory_space<vmem>>, vector<16xf32>,
        %parallel_loop3A_270 = arith.mulf %parallel_loop3A_269, %parallel_loop3A_264 : vector<16xf32>
        %parallel_loop3A_271 = arith.constant 0 : i32
        %parallel_loop3A_272 = arith.index_cast %parallel_loop3A_271 : i32 to index
        %parallel_loop3A_273 = arith.index_cast %parallel_loop3A_257 : i32 to index
        %parallel_loop3A_274 = arith.constant 0 : index
        %parallel_loop3A_275 = tpu.vector_load %arg7[%parallel_loop3A_272, %parallel_loop3A_273, %parallel_loop3A_274] {strides = array<i32>} : memref<2x128x64xf32, #tpu.memory_space<vmem>>, vector<16xf32>,
        tpu.vector_store %arg7[%parallel_loop3A_272, %parallel_loop3A_273, %parallel_loop3A_274], %parallel_loop3A_270 {strides = array<i32>} : memref<2x128x64xf32, #tpu.memory_space<vmem>>, vector<16xf32>,
        %parallel_loop3A_276 = arith.constant 0 : i32
        %parallel_loop3A_277 = arith.index_cast %parallel_loop3A_276 : i32 to index
        %parallel_loop3A_278 = arith.index_cast %parallel_loop3A_257 : i32 to index
        %parallel_loop3A_279 = arith.constant 16 : index
        %parallel_loop3A_280 = tpu.vector_load %arg7[%parallel_loop3A_277, %parallel_loop3A_278, %parallel_loop3A_279] {strides = array<i32>} : memref<2x128x64xf32, #tpu.memory_space<vmem>>, vector<16xf32>,
        %parallel_loop3A_281 = arith.mulf %parallel_loop3A_280, %parallel_loop3A_264 : vector<16xf32>
        %parallel_loop3A_282 = arith.constant 0 : i32
        %parallel_loop3A_283 = arith.index_cast %parallel_loop3A_282 : i32 to index
        %parallel_loop3A_284 = arith.index_cast %parallel_loop3A_257 : i32 to index
        %parallel_loop3A_285 = arith.constant 16 : index
        %parallel_loop3A_286 = tpu.vector_load %arg7[%parallel_loop3A_283, %parallel_loop3A_284, %parallel_loop3A_285] {strides = array<i32>} : memref<2x128x64xf32, #tpu.memory_space<vmem>>, vector<16xf32>,
        tpu.vector_store %arg7[%parallel_loop3A_283, %parallel_loop3A_284, %parallel_loop3A_285], %parallel_loop3A_281 {strides = array<i32>} : memref<2x128x64xf32, #tpu.memory_space<vmem>>, vector<16xf32>,
        %parallel_loop3A_287 = arith.constant 0 : i32
        %parallel_loop3A_288 = arith.index_cast %parallel_loop3A_287 : i32 to index
        %parallel_loop3A_289 = arith.index_cast %parallel_loop3A_257 : i32 to index
        %parallel_loop3A_290 = arith.constant 32 : index
        %parallel_loop3A_291 = tpu.vector_load %arg7[%parallel_loop3A_288, %parallel_loop3A_289, %parallel_loop3A_290] {strides = array<i32>} : memref<2x128x64xf32, #tpu.memory_space<vmem>>, vector<16xf32>,
        %parallel_loop3A_292 = arith.mulf %parallel_loop3A_291, %parallel_loop3A_264 : vector<16xf32>
        %parallel_loop3A_293 = arith.constant 0 : i32
        %parallel_loop3A_294 = arith.index_cast %parallel_loop3A_293 : i32 to index
        %parallel_loop3A_295 = arith.index_cast %parallel_loop3A_257 : i32 to index
        %parallel_loop3A_296 = arith.constant 32 : index
        %parallel_loop3A_297 = tpu.vector_load %arg7[%parallel_loop3A_294, %parallel_loop3A_295, %parallel_loop3A_296] {strides = array<i32>} : memref<2x128x64xf32, #tpu.memory_space<vmem>>, vector<16xf32>,
        tpu.vector_store %arg7[%parallel_loop3A_294, %parallel_loop3A_295, %parallel_loop3A_296], %parallel_loop3A_292 {strides = array<i32>} : memref<2x128x64xf32, #tpu.memory_space<vmem>>, vector<16xf32>,
        %parallel_loop3A_298 = arith.constant 0 : i32
        %parallel_loop3A_299 = arith.index_cast %parallel_loop3A_298 : i32 to index
        %parallel_loop3A_300 = arith.index_cast %parallel_loop3A_257 : i32 to index
        %parallel_loop3A_301 = arith.constant 48 : index
        %parallel_loop3A_302 = tpu.vector_load %arg7[%parallel_loop3A_299, %parallel_loop3A_300, %parallel_loop3A_301] {strides = array<i32>} : memref<2x128x64xf32, #tpu.memory_space<vmem>>, vector<16xf32>,
        %parallel_loop3A_303 = arith.mulf %parallel_loop3A_302, %parallel_loop3A_264 : vector<16xf32>
        %parallel_loop3A_304 = arith.constant 0 : i32
        %parallel_loop3A_305 = arith.index_cast %parallel_loop3A_304 : i32 to index
        %parallel_loop3A_306 = arith.index_cast %parallel_loop3A_257 : i32 to index
        %parallel_loop3A_307 = arith.constant 48 : index
        %parallel_loop3A_308 = tpu.vector_load %arg7[%parallel_loop3A_305, %parallel_loop3A_306, %parallel_loop3A_307] {strides = array<i32>} : memref<2x128x64xf32, #tpu.memory_space<vmem>>, vector<16xf32>,
        tpu.vector_store %arg7[%parallel_loop3A_305, %parallel_loop3A_306, %parallel_loop3A_307], %parallel_loop3A_303 {strides = array<i32>} : memref<2x128x64xf32, #tpu.memory_space<vmem>>, vector<16xf32>,
      } {sc.loop_unroll_factor = 8 : i64, sc.parallel_access}
      %dma_start3A_124 = arith.constant 0 : i32
      %dma_start3A_125 = arith.constant 0 : i32
      %dma_start3A_126 = arith.constant 2 : i32
      %dma_start3A_127 = arith.constant 0 : i32
      %dma_start3A_128 = arith.constant 0 : i32
      %dma_start3A_129 = tpu.memref_slice %arg7[%dma_start3A_124, %dma_start3A_127, %dma_start3A_128] : memref<2x128x64xf32, #tpu.memory_space<vmem>> -> memref<1x128x64xf32, #tpu.memory_space<vmem>>
      %dma_start3A_130 = tpu.memref_squeeze %dma_start3A_129 : memref<1x128x64xf32, #tpu.memory_space<vmem>> -> memref<128x64xf32, #tpu.memory_space<vmem>>
      %dma_start3A_131 = arith.constant 0 : i32
      %dma_start3A_132 = tpu.memref_slice %arg6[%dma_start3A_125, %dma_start3A_126, %dma_start3A_131] : memref<4x4x128xi32, #tpu.memory_space<vmem>> -> memref<1x1x128xi32, #tpu.memory_space<vmem>>
      %dma_start3A_133 = tpu.memref_squeeze %dma_start3A_132 : memref<1x1x128xi32, #tpu.memory_space<vmem>> -> memref<128xi32, #tpu.memory_space<vmem>>
      %dma_start3A_134 = arith.constant 0 : i32
      %dma_start3A_135 = arith.constant 0 : i32
      %dma_start3A_136 = tpu.memref_slice %arg9[%dma_start3A_134, %dma_start3A_135] : memref<10112x64xf32, #tpu.memory_space<vmem_shared>> -> memref<10112x64xf32, #tpu.memory_space<vmem_shared>>
      tpu.enqueue_indirect_dma source(%dma_start3A_130 : memref<128x64xf32, #tpu.memory_space<vmem>>) target(%dma_start3A_136 : memref<10112x64xf32, #tpu.memory_space<vmem_shared>>) offsets(%dma_start3A_133 : memref<128xi32, #tpu.memory_space<vmem>>) semaphore(%arg12 : memref<!tpu.dma_semaphore, #tpu.memory_space<semaphore_mem>>) {add = true}
      %mul3A_137 = arith.constant 4 : i32
      %mul3A_138 = arith.muli %scan3A_100, %mul3A_137 : i32
      %add3A_139 = arith.constant 1 : i32
      %add3A_140 = arith.addi %mul3A_138, %add3A_139 : i32
      %dma_wait3A_141 = arith.constant 0 : i32
      %dma_wait3A_142 = arith.constant 0 : i32
      %dma_wait3A_143 = arith.constant 1 : i32
      %dma_wait3A_144 = arith.constant 0 : i32
      %dma_wait3A_145 = arith.constant 0 : i32
      %dma_wait3A_146 = tpu.memref_slice %arg7[%dma_wait3A_143, %dma_wait3A_144, %dma_wait3A_145] : memref<2x128x64xf32, #tpu.memory_space<vmem>> -> memref<1x128x64xf32, #tpu.memory_space<vmem>>
      %dma_wait3A_147 = tpu.memref_squeeze %dma_wait3A_146 : memref<1x128x64xf32, #tpu.memory_space<vmem>> -> memref<128x64xf32, #tpu.memory_space<vmem>>
      %dma_wait3A_148 = arith.constant 0 : i32
      %dma_wait3A_149 = tpu.memref_slice %arg6[%dma_wait3A_141, %dma_wait3A_142, %dma_wait3A_148] : memref<4x4x128xi32, #tpu.memory_space<vmem>> -> memref<1x1x128xi32, #tpu.memory_space<vmem>>
      %dma_wait3A_150 = tpu.memref_squeeze %dma_wait3A_149 : memref<1x1x128xi32, #tpu.memory_space<vmem>> -> memref<128xi32, #tpu.memory_space<vmem>>
      %dma_wait3A_151 = arith.constant 0 : i32
      %dma_wait3A_152 = arith.constant 0 : i32
      %dma_wait3A_153 = tpu.memref_slice %arg8[%dma_wait3A_151, %dma_wait3A_152] : memref<10112x64xf32, #tpu.memory_space<vmem_shared>> -> memref<10112x64xf32, #tpu.memory_space<vmem_shared>>
      tpu.wait_indirect_dma semaphore(%arg11 : memref<!tpu.dma_semaphore, #tpu.memory_space<semaphore_mem>>) src(%dma_wait3A_153 : memref<10112x64xf32, #tpu.memory_space<vmem_shared>>) dst(%dma_wait3A_147 : memref<128x64xf32, #tpu.memory_space<vmem>>)
      %add3A_154 = arith.constant 1 : i32
      %add3A_155 = arith.addi %add3A_140, %add3A_154 : i32
      %lt3A_156 = arith.constant 160 : i32
      %lt3A_157 = arith.cmpi slt, %add3A_155, %lt3A_156 : i32
      %convert_element_type3A_158 = arith.extui %lt3A_157 : i1 to i32
      %cond3A_159 = arith.constant 0 : i32
      %cond3A_160 = arith.cmpi ne, %convert_element_type3A_158, %cond3A_159 : i32
      scf.if %cond3A_160 {
        %dma_wait3A_257 = arith.constant 2 : i32
        %dma_wait3A_258 = arith.constant 0 : i32
        %dma_wait3A_259 = arith.constant 0 : i32
        %dma_wait3A_260 = tpu.memref_slice %arg6[%dma_wait3A_257, %dma_wait3A_258, %dma_wait3A_259] : memref<4x4x128xi32, #tpu.memory_space<vmem>> -> memref<1x4x128xi32, #tpu.memory_space<vmem>>
        %dma_wait3A_261 = tpu.memref_squeeze %dma_wait3A_260 : memref<1x4x128xi32, #tpu.memory_space<vmem>> -> memref<4x128xi32, #tpu.memory_space<vmem>>
        %dma_wait3A_262 = arith.constant 0 : i32
        %dma_wait3A_263 = arith.constant 0 : i32
        %dma_wait3A_264 = tpu.memref_slice %arg3[%mul3A_2, %dma_wait3A_262, %dma_wait3A_263] : memref<2560x4x128xi32, #tpu.memory_space<hbm>> -> memref<1x4x128xi32, #tpu.memory_space<hbm>>
        %dma_wait3A_265 = tpu.memref_squeeze %dma_wait3A_264 : memref<1x4x128xi32, #tpu.memory_space<hbm>> -> memref<4x128xi32, #tpu.memory_space<hbm>>
        %dma_wait3A_266 = arith.constant 0 : i32
        %dma_wait3A_267 = arith.constant 0 : i32
        %dma_wait3A_268 = tpu.memref_slice %arg6[%dma_wait3A_257, %dma_wait3A_266, %dma_wait3A_267] : memref<4x4x128xi32, #tpu.memory_space<vmem>> -> memref<1x4x128xi32, #tpu.memory_space<vmem>>
        %dma_wait3A_269 = tpu.memref_squeeze %dma_wait3A_268 : memref<1x4x128xi32, #tpu.memory_space<vmem>> -> memref<4x128xi32, #tpu.memory_space<vmem>>
        %dma_wait3A_270 = arith.constant 0 : i32
        %dma_wait3A_271 = arith.constant 0 : i32
        %dma_wait3A_272 = tpu.memref_slice %arg3[%mul3A_2, %dma_wait3A_270, %dma_wait3A_271] : memref<2560x4x128xi32, #tpu.memory_space<hbm>> -> memref<1x4x128xi32, #tpu.memory_space<hbm>>
        %dma_wait3A_273 = tpu.memref_squeeze %dma_wait3A_272 : memref<1x4x128xi32, #tpu.memory_space<hbm>> -> memref<4x128xi32, #tpu.memory_space<hbm>>
        tpu.wait_dma2 semaphore(%arg16 : memref<!tpu.dma_semaphore, #tpu.memory_space<semaphore_mem>>) src(%dma_wait3A_273 : memref<4x128xi32, #tpu.memory_space<hbm>>) dst(%dma_wait3A_269 : memref<4x128xi32, #tpu.memory_space<vmem>>)
        %dma_wait3A_274 = arith.constant 0 : i32
        %dma_wait3A_275 = arith.constant 0 : i32
        %dma_wait3A_276 = arith.constant 2 : i32
        %dma_wait3A_277 = arith.constant 0 : i32
        %dma_wait3A_278 = arith.constant 0 : i32
        %dma_wait3A_279 = tpu.memref_slice %arg7[%dma_wait3A_274, %dma_wait3A_277, %dma_wait3A_278] : memref<2x128x64xf32, #tpu.memory_space<vmem>> -> memref<1x128x64xf32, #tpu.memory_space<vmem>>
        %dma_wait3A_280 = tpu.memref_squeeze %dma_wait3A_279 : memref<1x128x64xf32, #tpu.memory_space<vmem>> -> memref<128x64xf32, #tpu.memory_space<vmem>>
        %dma_wait3A_281 = arith.constant 0 : i32
        %dma_wait3A_282 = tpu.memref_slice %arg6[%dma_wait3A_275, %dma_wait3A_276, %dma_wait3A_281] : memref<4x4x128xi32, #tpu.memory_space<vmem>> -> memref<1x1x128xi32, #tpu.memory_space<vmem>>
        %dma_wait3A_283 = tpu.memref_squeeze %dma_wait3A_282 : memref<1x1x128xi32, #tpu.memory_space<vmem>> -> memref<128xi32, #tpu.memory_space<vmem>>
        %dma_wait3A_284 = arith.constant 0 : i32
        %dma_wait3A_285 = arith.constant 0 : i32
        %dma_wait3A_286 = tpu.memref_slice %arg9[%dma_wait3A_284, %dma_wait3A_285] : memref<10112x64xf32, #tpu.memory_space<vmem_shared>> -> memref<10112x64xf32, #tpu.memory_space<vmem_shared>>
        tpu.wait_indirect_dma semaphore(%arg12 : memref<!tpu.dma_semaphore, #tpu.memory_space<semaphore_mem>>) src(%dma_wait3A_280 : memref<128x64xf32, #tpu.memory_space<vmem>>) dst(%dma_wait3A_286 : memref<10112x64xf32, #tpu.memory_space<vmem_shared>>)
        %dma_start3A_287 = arith.constant 2 : i32
        %dma_start3A_288 = arith.constant 0 : i32
        %dma_start3A_289 = arith.constant 0 : i32
        %dma_start3A_290 = arith.constant 0 : i32
        %dma_start3A_291 = arith.constant 0 : i32
        %dma_start3A_292 = tpu.memref_slice %arg7[%dma_start3A_289, %dma_start3A_290, %dma_start3A_291] : memref<2x128x64xf32, #tpu.memory_space<vmem>> -> memref<1x128x64xf32, #tpu.memory_space<vmem>>
        %dma_start3A_293 = tpu.memref_squeeze %dma_start3A_292 : memref<1x128x64xf32, #tpu.memory_space<vmem>> -> memref<128x64xf32, #tpu.memory_space<vmem>>
        %dma_start3A_294 = arith.constant 0 : i32
        %dma_start3A_295 = tpu.memref_slice %arg6[%dma_start3A_287, %dma_start3A_288, %dma_start3A_294] : memref<4x4x128xi32, #tpu.memory_space<vmem>> -> memref<1x1x128xi32, #tpu.memory_space<vmem>>
        %dma_start3A_296 = tpu.memref_squeeze %dma_start3A_295 : memref<1x1x128xi32, #tpu.memory_space<vmem>> -> memref<128xi32, #tpu.memory_space<vmem>>
        %dma_start3A_297 = arith.constant 0 : i32
        %dma_start3A_298 = arith.constant 0 : i32
        %dma_start3A_299 = tpu.memref_slice %arg8[%dma_start3A_297, %dma_start3A_298] : memref<10112x64xf32, #tpu.memory_space<vmem_shared>> -> memref<10112x64xf32, #tpu.memory_space<vmem_shared>>
        tpu.enqueue_indirect_dma source(%dma_start3A_299 : memref<10112x64xf32, #tpu.memory_space<vmem_shared>>) target(%dma_start3A_293 : memref<128x64xf32, #tpu.memory_space<vmem>>) offsets(%dma_start3A_296 : memref<128xi32, #tpu.memory_space<vmem>>) semaphore(%arg10 : memref<!tpu.dma_semaphore, #tpu.memory_space<semaphore_mem>>)
        %add3A_300 = arith.constant 2 : i32
        %add3A_301 = arith.addi %add3A_140, %add3A_300 : i32
        %lt3A_302 = arith.constant 160 : i32
        %lt3A_303 = arith.cmpi slt, %add3A_301, %lt3A_302 : i32
        %convert_element_type3A_304 = arith.extui %lt3A_303 : i1 to i32
        %cond3A_305 = arith.constant 0 : i32
        %cond3A_306 = arith.cmpi ne, %convert_element_type3A_304, %cond3A_305 : i32
        scf.if %cond3A_306 {
          %add3A_307 = arith.constant 2 : i32
          %add3A_308 = arith.addi %add3A_140, %add3A_307 : i32
          %add3A_309 = arith.addi %mul3A_2, %add3A_308 : i32
          %dma_start3A_310 = arith.constant 3 : i32
          %dma_start3A_311 = arith.constant 0 : i32
          %dma_start3A_312 = arith.constant 0 : i32
          %dma_start3A_313 = tpu.memref_slice %arg6[%dma_start3A_310, %dma_start3A_311, %dma_start3A_312] : memref<4x4x128xi32, #tpu.memory_space<vmem>> -> memref<1x4x128xi32, #tpu.memory_space<vmem>>
          %dma_start3A_314 = tpu.memref_squeeze %dma_start3A_313 : memref<1x4x128xi32, #tpu.memory_space<vmem>> -> memref<4x128xi32, #tpu.memory_space<vmem>>
          %dma_start3A_315 = arith.constant 0 : i32
          %dma_start3A_316 = arith.constant 0 : i32
          %dma_start3A_317 = tpu.memref_slice %arg3[%add3A_309, %dma_start3A_315, %dma_start3A_316] : memref<2560x4x128xi32, #tpu.memory_space<hbm>> -> memref<1x4x128xi32, #tpu.memory_space<hbm>>
          %dma_start3A_318 = tpu.memref_squeeze %dma_start3A_317 : memref<1x4x128xi32, #tpu.memory_space<hbm>> -> memref<4x128xi32, #tpu.memory_space<hbm>>
          %dma_start3A_319 = arith.constant 0 : i32
          %dma_start3A_320 = arith.constant 0 : i32
          %dma_start3A_321 = tpu.memref_slice %arg6[%dma_start3A_310, %dma_start3A_319, %dma_start3A_320] : memref<4x4x128xi32, #tpu.memory_space<vmem>> -> memref<1x4x128xi32, #tpu.memory_space<vmem>>
          %dma_start3A_322 = tpu.memref_squeeze %dma_start3A_321 : memref<1x4x128xi32, #tpu.memory_space<vmem>> -> memref<4x128xi32, #tpu.memory_space<vmem>>
          %dma_start3A_323 = arith.constant 0 : i32
          %dma_start3A_324 = arith.constant 0 : i32
          %dma_start3A_325 = tpu.memref_slice %arg3[%add3A_309, %dma_start3A_323, %dma_start3A_324] : memref<2560x4x128xi32, #tpu.memory_space<hbm>> -> memref<1x4x128xi32, #tpu.memory_space<hbm>>
          %dma_start3A_326 = tpu.memref_squeeze %dma_start3A_325 : memref<1x4x128xi32, #tpu.memory_space<hbm>> -> memref<4x128xi32, #tpu.memory_space<hbm>>
          tpu.enqueue_dma source(%dma_start3A_326 : memref<4x128xi32, #tpu.memory_space<hbm>>) target(%dma_start3A_322 : memref<4x128xi32, #tpu.memory_space<vmem>>) target_semaphore(%arg17 : memref<!tpu.dma_semaphore, #tpu.memory_space<semaphore_mem>>)
        } else {
        }
      } else {
      }
      %parallel_loop3A_161 = arith.constant 0 : i32
      %parallel_loop3A_162 = arith.constant 128 : i32
      %parallel_loop3A_163 = arith.constant 1 : i32
      scf.for %parallel_loop3A_257 = %parallel_loop3A_161 to %parallel_loop3A_162 step %parallel_loop3A_163  : i32 {
        %parallel_loop3A_258 = arith.constant 1 : i32
        %parallel_loop3A_259 = vector.broadcast %parallel_loop3A_258 : i32 to vector<16xi32>
        %parallel_loop3A_260 = arith.constant 1 : i32
        %parallel_loop3A_261 = vector.broadcast %parallel_loop3A_260 : i32 to vector<16xi32>
        %parallel_loop3A_262 = vector.broadcast %parallel_loop3A_257 : i32 to vector<16xi32>
        %parallel_loop3A_263 = tpu.vector_load_idx %arg6[%parallel_loop3A_259, %parallel_loop3A_261, %parallel_loop3A_262] : memref<4x4x128xi32, #tpu.memory_space<vmem>>[vector<16xi32>, vector<16xi32>, vector<16xi32>], vector<16xi32>,
        %parallel_loop3A_264 = vector.bitcast %parallel_loop3A_263 : vector<16xi32> to vector<16xf32>
        %parallel_loop3A_265 = arith.constant 1 : i32
        %parallel_loop3A_266 = arith.index_cast %parallel_loop3A_265 : i32 to index
        %parallel_loop3A_267 = arith.index_cast %parallel_loop3A_257 : i32 to index
        %parallel_loop3A_268 = arith.constant 0 : index
        %parallel_loop3A_269 = tpu.vector_load %arg7[%parallel_loop3A_266, %parallel_loop3A_267, %parallel_loop3A_268] {strides = array<i32>} : memref<2x128x64xf32, #tpu.memory_space<vmem>>, vector<16xf32>,
        %parallel_loop3A_270 = arith.mulf %parallel_loop3A_269, %parallel_loop3A_264 : vector<16xf32>
        %parallel_loop3A_271 = arith.constant 1 : i32
        %parallel_loop3A_272 = arith.index_cast %parallel_loop3A_271 : i32 to index
        %parallel_loop3A_273 = arith.index_cast %parallel_loop3A_257 : i32 to index
        %parallel_loop3A_274 = arith.constant 0 : index
        %parallel_loop3A_275 = tpu.vector_load %arg7[%parallel_loop3A_272, %parallel_loop3A_273, %parallel_loop3A_274] {strides = array<i32>} : memref<2x128x64xf32, #tpu.memory_space<vmem>>, vector<16xf32>,
        tpu.vector_store %arg7[%parallel_loop3A_272, %parallel_loop3A_273, %parallel_loop3A_274], %parallel_loop3A_270 {strides = array<i32>} : memref<2x128x64xf32, #tpu.memory_space<vmem>>, vector<16xf32>,
        %parallel_loop3A_276 = arith.constant 1 : i32
        %parallel_loop3A_277 = arith.index_cast %parallel_loop3A_276 : i32 to index
        %parallel_loop3A_278 = arith.index_cast %parallel_loop3A_257 : i32 to index
        %parallel_loop3A_279 = arith.constant 16 : index
        %parallel_loop3A_280 = tpu.vector_load %arg7[%parallel_loop3A_277, %parallel_loop3A_278, %parallel_loop3A_279] {strides = array<i32>} : memref<2x128x64xf32, #tpu.memory_space<vmem>>, vector<16xf32>,
        %parallel_loop3A_281 = arith.mulf %parallel_loop3A_280, %parallel_loop3A_264 : vector<16xf32>
        %parallel_loop3A_282 = arith.constant 1 : i32
        %parallel_loop3A_283 = arith.index_cast %parallel_loop3A_282 : i32 to index
        %parallel_loop3A_284 = arith.index_cast %parallel_loop3A_257 : i32 to index
        %parallel_loop3A_285 = arith.constant 16 : index
        %parallel_loop3A_286 = tpu.vector_load %arg7[%parallel_loop3A_283, %parallel_loop3A_284, %parallel_loop3A_285] {strides = array<i32>} : memref<2x128x64xf32, #tpu.memory_space<vmem>>, vector<16xf32>,
        tpu.vector_store %arg7[%parallel_loop3A_283, %parallel_loop3A_284, %parallel_loop3A_285], %parallel_loop3A_281 {strides = array<i32>} : memref<2x128x64xf32, #tpu.memory_space<vmem>>, vector<16xf32>,
        %parallel_loop3A_287 = arith.constant 1 : i32
        %parallel_loop3A_288 = arith.index_cast %parallel_loop3A_287 : i32 to index
        %parallel_loop3A_289 = arith.index_cast %parallel_loop3A_257 : i32 to index
        %parallel_loop3A_290 = arith.constant 32 : index
        %parallel_loop3A_291 = tpu.vector_load %arg7[%parallel_loop3A_288, %parallel_loop3A_289, %parallel_loop3A_290] {strides = array<i32>} : memref<2x128x64xf32, #tpu.memory_space<vmem>>, vector<16xf32>,
        %parallel_loop3A_292 = arith.mulf %parallel_loop3A_291, %parallel_loop3A_264 : vector<16xf32>
        %parallel_loop3A_293 = arith.constant 1 : i32
        %parallel_loop3A_294 = arith.index_cast %parallel_loop3A_293 : i32 to index
        %parallel_loop3A_295 = arith.index_cast %parallel_loop3A_257 : i32 to index
        %parallel_loop3A_296 = arith.constant 32 : index
        %parallel_loop3A_297 = tpu.vector_load %arg7[%parallel_loop3A_294, %parallel_loop3A_295, %parallel_loop3A_296] {strides = array<i32>} : memref<2x128x64xf32, #tpu.memory_space<vmem>>, vector<16xf32>,
        tpu.vector_store %arg7[%parallel_loop3A_294, %parallel_loop3A_295, %parallel_loop3A_296], %parallel_loop3A_292 {strides = array<i32>} : memref<2x128x64xf32, #tpu.memory_space<vmem>>, vector<16xf32>,
        %parallel_loop3A_298 = arith.constant 1 : i32
        %parallel_loop3A_299 = arith.index_cast %parallel_loop3A_298 : i32 to index
        %parallel_loop3A_300 = arith.index_cast %parallel_loop3A_257 : i32 to index
        %parallel_loop3A_301 = arith.constant 48 : index
        %parallel_loop3A_302 = tpu.vector_load %arg7[%parallel_loop3A_299, %parallel_loop3A_300, %parallel_loop3A_301] {strides = array<i32>} : memref<2x128x64xf32, #tpu.memory_space<vmem>>, vector<16xf32>,
        %parallel_loop3A_303 = arith.mulf %parallel_loop3A_302, %parallel_loop3A_264 : vector<16xf32>
        %parallel_loop3A_304 = arith.constant 1 : i32
        %parallel_loop3A_305 = arith.index_cast %parallel_loop3A_304 : i32 to index
        %parallel_loop3A_306 = arith.index_cast %parallel_loop3A_257 : i32 to index
        %parallel_loop3A_307 = arith.constant 48 : index
        %parallel_loop3A_308 = tpu.vector_load %arg7[%parallel_loop3A_305, %parallel_loop3A_306, %parallel_loop3A_307] {strides = array<i32>} : memref<2x128x64xf32, #tpu.memory_space<vmem>>, vector<16xf32>,
        tpu.vector_store %arg7[%parallel_loop3A_305, %parallel_loop3A_306, %parallel_loop3A_307], %parallel_loop3A_303 {strides = array<i32>} : memref<2x128x64xf32, #tpu.memory_space<vmem>>, vector<16xf32>,
      } {sc.loop_unroll_factor = 8 : i64, sc.parallel_access}
      %dma_start3A_164 = arith.constant 1 : i32
      %dma_start3A_165 = arith.constant 1 : i32
      %dma_start3A_166 = arith.constant 2 : i32
      %dma_start3A_167 = arith.constant 0 : i32
      %dma_start3A_168 = arith.constant 0 : i32
      %dma_start3A_169 = tpu.memref_slice %arg7[%dma_start3A_164, %dma_start3A_167, %dma_start3A_168] : memref<2x128x64xf32, #tpu.memory_space<vmem>> -> memref<1x128x64xf32, #tpu.memory_space<vmem>>
      %dma_start3A_170 = tpu.memref_squeeze %dma_start3A_169 : memref<1x128x64xf32, #tpu.memory_space<vmem>> -> memref<128x64xf32, #tpu.memory_space<vmem>>
      %dma_start3A_171 = arith.constant 0 : i32
      %dma_start3A_172 = tpu.memref_slice %arg6[%dma_start3A_165, %dma_start3A_166, %dma_start3A_171] : memref<4x4x128xi32, #tpu.memory_space<vmem>> -> memref<1x1x128xi32, #tpu.memory_space<vmem>>
      %dma_start3A_173 = tpu.memref_squeeze %dma_start3A_172 : memref<1x1x128xi32, #tpu.memory_space<vmem>> -> memref<128xi32, #tpu.memory_space<vmem>>
      %dma_start3A_174 = arith.constant 0 : i32
      %dma_start3A_175 = arith.constant 0 : i32
      %dma_start3A_176 = tpu.memref_slice %arg9[%dma_start3A_174, %dma_start3A_175] : memref<10112x64xf32, #tpu.memory_space<vmem_shared>> -> memref<10112x64xf32, #tpu.memory_space<vmem_shared>>
      tpu.enqueue_indirect_dma source(%dma_start3A_170 : memref<128x64xf32, #tpu.memory_space<vmem>>) target(%dma_start3A_176 : memref<10112x64xf32, #tpu.memory_space<vmem_shared>>) offsets(%dma_start3A_173 : memref<128xi32, #tpu.memory_space<vmem>>) semaphore(%arg13 : memref<!tpu.dma_semaphore, #tpu.memory_space<semaphore_mem>>) {add = true}
      %mul3A_177 = arith.constant 4 : i32
      %mul3A_178 = arith.muli %scan3A_100, %mul3A_177 : i32
      %add3A_179 = arith.constant 2 : i32
      %add3A_180 = arith.addi %mul3A_178, %add3A_179 : i32
      %dma_wait3A_181 = arith.constant 0 : i32
      %dma_wait3A_182 = arith.constant 0 : i32
      %dma_wait3A_183 = arith.constant 0 : i32
      %dma_wait3A_184 = arith.constant 0 : i32
      %dma_wait3A_185 = arith.constant 0 : i32
      %dma_wait3A_186 = tpu.memref_slice %arg7[%dma_wait3A_183, %dma_wait3A_184, %dma_wait3A_185] : memref<2x128x64xf32, #tpu.memory_space<vmem>> -> memref<1x128x64xf32, #tpu.memory_space<vmem>>
      %dma_wait3A_187 = tpu.memref_squeeze %dma_wait3A_186 : memref<1x128x64xf32, #tpu.memory_space<vmem>> -> memref<128x64xf32, #tpu.memory_space<vmem>>
      %dma_wait3A_188 = arith.constant 0 : i32
      %dma_wait3A_189 = tpu.memref_slice %arg6[%dma_wait3A_181, %dma_wait3A_182, %dma_wait3A_188] : memref<4x4x128xi32, #tpu.memory_space<vmem>> -> memref<1x1x128xi32, #tpu.memory_space<vmem>>
      %dma_wait3A_190 = tpu.memref_squeeze %dma_wait3A_189 : memref<1x1x128xi32, #tpu.memory_space<vmem>> -> memref<128xi32, #tpu.memory_space<vmem>>
      %dma_wait3A_191 = arith.constant 0 : i32
      %dma_wait3A_192 = arith.constant 0 : i32
      %dma_wait3A_193 = tpu.memref_slice %arg8[%dma_wait3A_191, %dma_wait3A_192] : memref<10112x64xf32, #tpu.memory_space<vmem_shared>> -> memref<10112x64xf32, #tpu.memory_space<vmem_shared>>
      tpu.wait_indirect_dma semaphore(%arg10 : memref<!tpu.dma_semaphore, #tpu.memory_space<semaphore_mem>>) src(%dma_wait3A_193 : memref<10112x64xf32, #tpu.memory_space<vmem_shared>>) dst(%dma_wait3A_187 : memref<128x64xf32, #tpu.memory_space<vmem>>)
      %add3A_194 = arith.constant 1 : i32
      %add3A_195 = arith.addi %add3A_180, %add3A_194 : i32
      %lt3A_196 = arith.constant 160 : i32
      %lt3A_197 = arith.cmpi slt, %add3A_195, %lt3A_196 : i32
      %convert_element_type3A_198 = arith.extui %lt3A_197 : i1 to i32
      %cond3A_199 = arith.constant 0 : i32
      %cond3A_200 = arith.cmpi ne, %convert_element_type3A_198, %cond3A_199 : i32
      scf.if %cond3A_200 {
        %dma_wait3A_257 = arith.constant 3 : i32
        %dma_wait3A_258 = arith.constant 0 : i32
        %dma_wait3A_259 = arith.constant 0 : i32
        %dma_wait3A_260 = tpu.memref_slice %arg6[%dma_wait3A_257, %dma_wait3A_258, %dma_wait3A_259] : memref<4x4x128xi32, #tpu.memory_space<vmem>> -> memref<1x4x128xi32, #tpu.memory_space<vmem>>
        %dma_wait3A_261 = tpu.memref_squeeze %dma_wait3A_260 : memref<1x4x128xi32, #tpu.memory_space<vmem>> -> memref<4x128xi32, #tpu.memory_space<vmem>>
        %dma_wait3A_262 = arith.constant 0 : i32
        %dma_wait3A_263 = arith.constant 0 : i32
        %dma_wait3A_264 = tpu.memref_slice %arg3[%mul3A_2, %dma_wait3A_262, %dma_wait3A_263] : memref<2560x4x128xi32, #tpu.memory_space<hbm>> -> memref<1x4x128xi32, #tpu.memory_space<hbm>>
        %dma_wait3A_265 = tpu.memref_squeeze %dma_wait3A_264 : memref<1x4x128xi32, #tpu.memory_space<hbm>> -> memref<4x128xi32, #tpu.memory_space<hbm>>
        %dma_wait3A_266 = arith.constant 0 : i32
        %dma_wait3A_267 = arith.constant 0 : i32
        %dma_wait3A_268 = tpu.memref_slice %arg6[%dma_wait3A_257, %dma_wait3A_266, %dma_wait3A_267] : memref<4x4x128xi32, #tpu.memory_space<vmem>> -> memref<1x4x128xi32, #tpu.memory_space<vmem>>
        %dma_wait3A_269 = tpu.memref_squeeze %dma_wait3A_268 : memref<1x4x128xi32, #tpu.memory_space<vmem>> -> memref<4x128xi32, #tpu.memory_space<vmem>>
        %dma_wait3A_270 = arith.constant 0 : i32
        %dma_wait3A_271 = arith.constant 0 : i32
        %dma_wait3A_272 = tpu.memref_slice %arg3[%mul3A_2, %dma_wait3A_270, %dma_wait3A_271] : memref<2560x4x128xi32, #tpu.memory_space<hbm>> -> memref<1x4x128xi32, #tpu.memory_space<hbm>>
        %dma_wait3A_273 = tpu.memref_squeeze %dma_wait3A_272 : memref<1x4x128xi32, #tpu.memory_space<hbm>> -> memref<4x128xi32, #tpu.memory_space<hbm>>
        tpu.wait_dma2 semaphore(%arg17 : memref<!tpu.dma_semaphore, #tpu.memory_space<semaphore_mem>>) src(%dma_wait3A_273 : memref<4x128xi32, #tpu.memory_space<hbm>>) dst(%dma_wait3A_269 : memref<4x128xi32, #tpu.memory_space<vmem>>)
        %dma_wait3A_274 = arith.constant 1 : i32
        %dma_wait3A_275 = arith.constant 0 : i32
        %dma_wait3A_276 = arith.constant 2 : i32
        %dma_wait3A_277 = arith.constant 0 : i32
        %dma_wait3A_278 = arith.constant 0 : i32
        %dma_wait3A_279 = tpu.memref_slice %arg7[%dma_wait3A_274, %dma_wait3A_277, %dma_wait3A_278] : memref<2x128x64xf32, #tpu.memory_space<vmem>> -> memref<1x128x64xf32, #tpu.memory_space<vmem>>
        %dma_wait3A_280 = tpu.memref_squeeze %dma_wait3A_279 : memref<1x128x64xf32, #tpu.memory_space<vmem>> -> memref<128x64xf32, #tpu.memory_space<vmem>>
        %dma_wait3A_281 = arith.constant 0 : i32
        %dma_wait3A_282 = tpu.memref_slice %arg6[%dma_wait3A_275, %dma_wait3A_276, %dma_wait3A_281] : memref<4x4x128xi32, #tpu.memory_space<vmem>> -> memref<1x1x128xi32, #tpu.memory_space<vmem>>
        %dma_wait3A_283 = tpu.memref_squeeze %dma_wait3A_282 : memref<1x1x128xi32, #tpu.memory_space<vmem>> -> memref<128xi32, #tpu.memory_space<vmem>>
        %dma_wait3A_284 = arith.constant 0 : i32
        %dma_wait3A_285 = arith.constant 0 : i32
        %dma_wait3A_286 = tpu.memref_slice %arg9[%dma_wait3A_284, %dma_wait3A_285] : memref<10112x64xf32, #tpu.memory_space<vmem_shared>> -> memref<10112x64xf32, #tpu.memory_space<vmem_shared>>
        tpu.wait_indirect_dma semaphore(%arg13 : memref<!tpu.dma_semaphore, #tpu.memory_space<semaphore_mem>>) src(%dma_wait3A_280 : memref<128x64xf32, #tpu.memory_space<vmem>>) dst(%dma_wait3A_286 : memref<10112x64xf32, #tpu.memory_space<vmem_shared>>)
        %dma_start3A_287 = arith.constant 3 : i32
        %dma_start3A_288 = arith.constant 0 : i32
        %dma_start3A_289 = arith.constant 1 : i32
        %dma_start3A_290 = arith.constant 0 : i32
        %dma_start3A_291 = arith.constant 0 : i32
        %dma_start3A_292 = tpu.memref_slice %arg7[%dma_start3A_289, %dma_start3A_290, %dma_start3A_291] : memref<2x128x64xf32, #tpu.memory_space<vmem>> -> memref<1x128x64xf32, #tpu.memory_space<vmem>>
        %dma_start3A_293 = tpu.memref_squeeze %dma_start3A_292 : memref<1x128x64xf32, #tpu.memory_space<vmem>> -> memref<128x64xf32, #tpu.memory_space<vmem>>
        %dma_start3A_294 = arith.constant 0 : i32
        %dma_start3A_295 = tpu.memref_slice %arg6[%dma_start3A_287, %dma_start3A_288, %dma_start3A_294] : memref<4x4x128xi32, #tpu.memory_space<vmem>> -> memref<1x1x128xi32, #tpu.memory_space<vmem>>
        %dma_start3A_296 = tpu.memref_squeeze %dma_start3A_295 : memref<1x1x128xi32, #tpu.memory_space<vmem>> -> memref<128xi32, #tpu.memory_space<vmem>>
        %dma_start3A_297 = arith.constant 0 : i32
        %dma_start3A_298 = arith.constant 0 : i32
        %dma_start3A_299 = tpu.memref_slice %arg8[%dma_start3A_297, %dma_start3A_298] : memref<10112x64xf32, #tpu.memory_space<vmem_shared>> -> memref<10112x64xf32, #tpu.memory_space<vmem_shared>>
        tpu.enqueue_indirect_dma source(%dma_start3A_299 : memref<10112x64xf32, #tpu.memory_space<vmem_shared>>) target(%dma_start3A_293 : memref<128x64xf32, #tpu.memory_space<vmem>>) offsets(%dma_start3A_296 : memref<128xi32, #tpu.memory_space<vmem>>) semaphore(%arg11 : memref<!tpu.dma_semaphore, #tpu.memory_space<semaphore_mem>>)
        %add3A_300 = arith.constant 2 : i32
        %add3A_301 = arith.addi %add3A_180, %add3A_300 : i32
        %lt3A_302 = arith.constant 160 : i32
        %lt3A_303 = arith.cmpi slt, %add3A_301, %lt3A_302 : i32
        %convert_element_type3A_304 = arith.extui %lt3A_303 : i1 to i32
        %cond3A_305 = arith.constant 0 : i32
        %cond3A_306 = arith.cmpi ne, %convert_element_type3A_304, %cond3A_305 : i32
        scf.if %cond3A_306 {
          %add3A_307 = arith.constant 2 : i32
          %add3A_308 = arith.addi %add3A_180, %add3A_307 : i32
          %add3A_309 = arith.addi %mul3A_2, %add3A_308 : i32
          %dma_start3A_310 = arith.constant 0 : i32
          %dma_start3A_311 = arith.constant 0 : i32
          %dma_start3A_312 = arith.constant 0 : i32
          %dma_start3A_313 = tpu.memref_slice %arg6[%dma_start3A_310, %dma_start3A_311, %dma_start3A_312] : memref<4x4x128xi32, #tpu.memory_space<vmem>> -> memref<1x4x128xi32, #tpu.memory_space<vmem>>
          %dma_start3A_314 = tpu.memref_squeeze %dma_start3A_313 : memref<1x4x128xi32, #tpu.memory_space<vmem>> -> memref<4x128xi32, #tpu.memory_space<vmem>>
          %dma_start3A_315 = arith.constant 0 : i32
          %dma_start3A_316 = arith.constant 0 : i32
          %dma_start3A_317 = tpu.memref_slice %arg3[%add3A_309, %dma_start3A_315, %dma_start3A_316] : memref<2560x4x128xi32, #tpu.memory_space<hbm>> -> memref<1x4x128xi32, #tpu.memory_space<hbm>>
          %dma_start3A_318 = tpu.memref_squeeze %dma_start3A_317 : memref<1x4x128xi32, #tpu.memory_space<hbm>> -> memref<4x128xi32, #tpu.memory_space<hbm>>
          %dma_start3A_319 = arith.constant 0 : i32
          %dma_start3A_320 = arith.constant 0 : i32
          %dma_start3A_321 = tpu.memref_slice %arg6[%dma_start3A_310, %dma_start3A_319, %dma_start3A_320] : memref<4x4x128xi32, #tpu.memory_space<vmem>> -> memref<1x4x128xi32, #tpu.memory_space<vmem>>
          %dma_start3A_322 = tpu.memref_squeeze %dma_start3A_321 : memref<1x4x128xi32, #tpu.memory_space<vmem>> -> memref<4x128xi32, #tpu.memory_space<vmem>>
          %dma_start3A_323 = arith.constant 0 : i32
          %dma_start3A_324 = arith.constant 0 : i32
          %dma_start3A_325 = tpu.memref_slice %arg3[%add3A_309, %dma_start3A_323, %dma_start3A_324] : memref<2560x4x128xi32, #tpu.memory_space<hbm>> -> memref<1x4x128xi32, #tpu.memory_space<hbm>>
          %dma_start3A_326 = tpu.memref_squeeze %dma_start3A_325 : memref<1x4x128xi32, #tpu.memory_space<hbm>> -> memref<4x128xi32, #tpu.memory_space<hbm>>
          tpu.enqueue_dma source(%dma_start3A_326 : memref<4x128xi32, #tpu.memory_space<hbm>>) target(%dma_start3A_322 : memref<4x128xi32, #tpu.memory_space<vmem>>) target_semaphore(%arg14 : memref<!tpu.dma_semaphore, #tpu.memory_space<semaphore_mem>>)
        } else {
        }
      } else {
      }
      %parallel_loop3A_201 = arith.constant 0 : i32
      %parallel_loop3A_202 = arith.constant 128 : i32
      %parallel_loop3A_203 = arith.constant 1 : i32
      scf.for %parallel_loop3A_257 = %parallel_loop3A_201 to %parallel_loop3A_202 step %parallel_loop3A_203  : i32 {
        %parallel_loop3A_258 = arith.constant 2 : i32
        %parallel_loop3A_259 = vector.broadcast %parallel_loop3A_258 : i32 to vector<16xi32>
        %parallel_loop3A_260 = arith.constant 1 : i32
        %parallel_loop3A_261 = vector.broadcast %parallel_loop3A_260 : i32 to vector<16xi32>
        %parallel_loop3A_262 = vector.broadcast %parallel_loop3A_257 : i32 to vector<16xi32>
        %parallel_loop3A_263 = tpu.vector_load_idx %arg6[%parallel_loop3A_259, %parallel_loop3A_261, %parallel_loop3A_262] : memref<4x4x128xi32, #tpu.memory_space<vmem>>[vector<16xi32>, vector<16xi32>, vector<16xi32>], vector<16xi32>,
        %parallel_loop3A_264 = vector.bitcast %parallel_loop3A_263 : vector<16xi32> to vector<16xf32>
        %parallel_loop3A_265 = arith.constant 0 : i32
        %parallel_loop3A_266 = arith.index_cast %parallel_loop3A_265 : i32 to index
        %parallel_loop3A_267 = arith.index_cast %parallel_loop3A_257 : i32 to index
        %parallel_loop3A_268 = arith.constant 0 : index
        %parallel_loop3A_269 = tpu.vector_load %arg7[%parallel_loop3A_266, %parallel_loop3A_267, %parallel_loop3A_268] {strides = array<i32>} : memref<2x128x64xf32, #tpu.memory_space<vmem>>, vector<16xf32>,
        %parallel_loop3A_270 = arith.mulf %parallel_loop3A_269, %parallel_loop3A_264 : vector<16xf32>
        %parallel_loop3A_271 = arith.constant 0 : i32
        %parallel_loop3A_272 = arith.index_cast %parallel_loop3A_271 : i32 to index
        %parallel_loop3A_273 = arith.index_cast %parallel_loop3A_257 : i32 to index
        %parallel_loop3A_274 = arith.constant 0 : index
        %parallel_loop3A_275 = tpu.vector_load %arg7[%parallel_loop3A_272, %parallel_loop3A_273, %parallel_loop3A_274] {strides = array<i32>} : memref<2x128x64xf32, #tpu.memory_space<vmem>>, vector<16xf32>,
        tpu.vector_store %arg7[%parallel_loop3A_272, %parallel_loop3A_273, %parallel_loop3A_274], %parallel_loop3A_270 {strides = array<i32>} : memref<2x128x64xf32, #tpu.memory_space<vmem>>, vector<16xf32>,
        %parallel_loop3A_276 = arith.constant 0 : i32
        %parallel_loop3A_277 = arith.index_cast %parallel_loop3A_276 : i32 to index
        %parallel_loop3A_278 = arith.index_cast %parallel_loop3A_257 : i32 to index
        %parallel_loop3A_279 = arith.constant 16 : index
        %parallel_loop3A_280 = tpu.vector_load %arg7[%parallel_loop3A_277, %parallel_loop3A_278, %parallel_loop3A_279] {strides = array<i32>} : memref<2x128x64xf32, #tpu.memory_space<vmem>>, vector<16xf32>,
        %parallel_loop3A_281 = arith.mulf %parallel_loop3A_280, %parallel_loop3A_264 : vector<16xf32>
        %parallel_loop3A_282 = arith.constant 0 : i32
        %parallel_loop3A_283 = arith.index_cast %parallel_loop3A_282 : i32 to index
        %parallel_loop3A_284 = arith.index_cast %parallel_loop3A_257 : i32 to index
        %parallel_loop3A_285 = arith.constant 16 : index
        %parallel_loop3A_286 = tpu.vector_load %arg7[%parallel_loop3A_283, %parallel_loop3A_284, %parallel_loop3A_285] {strides = array<i32>} : memref<2x128x64xf32, #tpu.memory_space<vmem>>, vector<16xf32>,
        tpu.vector_store %arg7[%parallel_loop3A_283, %parallel_loop3A_284, %parallel_loop3A_285], %parallel_loop3A_281 {strides = array<i32>} : memref<2x128x64xf32, #tpu.memory_space<vmem>>, vector<16xf32>,
        %parallel_loop3A_287 = arith.constant 0 : i32
        %parallel_loop3A_288 = arith.index_cast %parallel_loop3A_287 : i32 to index
        %parallel_loop3A_289 = arith.index_cast %parallel_loop3A_257 : i32 to index
        %parallel_loop3A_290 = arith.constant 32 : index
        %parallel_loop3A_291 = tpu.vector_load %arg7[%parallel_loop3A_288, %parallel_loop3A_289, %parallel_loop3A_290] {strides = array<i32>} : memref<2x128x64xf32, #tpu.memory_space<vmem>>, vector<16xf32>,
        %parallel_loop3A_292 = arith.mulf %parallel_loop3A_291, %parallel_loop3A_264 : vector<16xf32>
        %parallel_loop3A_293 = arith.constant 0 : i32
        %parallel_loop3A_294 = arith.index_cast %parallel_loop3A_293 : i32 to index
        %parallel_loop3A_295 = arith.index_cast %parallel_loop3A_257 : i32 to index
        %parallel_loop3A_296 = arith.constant 32 : index
        %parallel_loop3A_297 = tpu.vector_load %arg7[%parallel_loop3A_294, %parallel_loop3A_295, %parallel_loop3A_296] {strides = array<i32>} : memref<2x128x64xf32, #tpu.memory_space<vmem>>, vector<16xf32>,
        tpu.vector_store %arg7[%parallel_loop3A_294, %parallel_loop3A_295, %parallel_loop3A_296], %parallel_loop3A_292 {strides = array<i32>} : memref<2x128x64xf32, #tpu.memory_space<vmem>>, vector<16xf32>,
        %parallel_loop3A_298 = arith.constant 0 : i32
        %parallel_loop3A_299 = arith.index_cast %parallel_loop3A_298 : i32 to index
        %parallel_loop3A_300 = arith.index_cast %parallel_loop3A_257 : i32 to index
        %parallel_loop3A_301 = arith.constant 48 : index
        %parallel_loop3A_302 = tpu.vector_load %arg7[%parallel_loop3A_299, %parallel_loop3A_300, %parallel_loop3A_301] {strides = array<i32>} : memref<2x128x64xf32, #tpu.memory_space<vmem>>, vector<16xf32>,
        %parallel_loop3A_303 = arith.mulf %parallel_loop3A_302, %parallel_loop3A_264 : vector<16xf32>
        %parallel_loop3A_304 = arith.constant 0 : i32
        %parallel_loop3A_305 = arith.index_cast %parallel_loop3A_304 : i32 to index
        %parallel_loop3A_306 = arith.index_cast %parallel_loop3A_257 : i32 to index
        %parallel_loop3A_307 = arith.constant 48 : index
        %parallel_loop3A_308 = tpu.vector_load %arg7[%parallel_loop3A_305, %parallel_loop3A_306, %parallel_loop3A_307] {strides = array<i32>} : memref<2x128x64xf32, #tpu.memory_space<vmem>>, vector<16xf32>,
        tpu.vector_store %arg7[%parallel_loop3A_305, %parallel_loop3A_306, %parallel_loop3A_307], %parallel_loop3A_303 {strides = array<i32>} : memref<2x128x64xf32, #tpu.memory_space<vmem>>, vector<16xf32>,
      } {sc.loop_unroll_factor = 8 : i64, sc.parallel_access}
      %dma_start3A_204 = arith.constant 0 : i32
      %dma_start3A_205 = arith.constant 2 : i32
      %dma_start3A_206 = arith.constant 2 : i32
      %dma_start3A_207 = arith.constant 0 : i32
      %dma_start3A_208 = arith.constant 0 : i32
      %dma_start3A_209 = tpu.memref_slice %arg7[%dma_start3A_204, %dma_start3A_207, %dma_start3A_208] : memref<2x128x64xf32, #tpu.memory_space<vmem>> -> memref<1x128x64xf32, #tpu.memory_space<vmem>>
      %dma_start3A_210 = tpu.memref_squeeze %dma_start3A_209 : memref<1x128x64xf32, #tpu.memory_space<vmem>> -> memref<128x64xf32, #tpu.memory_space<vmem>>
      %dma_start3A_211 = arith.constant 0 : i32
      %dma_start3A_212 = tpu.memref_slice %arg6[%dma_start3A_205, %dma_start3A_206, %dma_start3A_211] : memref<4x4x128xi32, #tpu.memory_space<vmem>> -> memref<1x1x128xi32, #tpu.memory_space<vmem>>
      %dma_start3A_213 = tpu.memref_squeeze %dma_start3A_212 : memref<1x1x128xi32, #tpu.memory_space<vmem>> -> memref<128xi32, #tpu.memory_space<vmem>>
      %dma_start3A_214 = arith.constant 0 : i32
      %dma_start3A_215 = arith.constant 0 : i32
      %dma_start3A_216 = tpu.memref_slice %arg9[%dma_start3A_214, %dma_start3A_215] : memref<10112x64xf32, #tpu.memory_space<vmem_shared>> -> memref<10112x64xf32, #tpu.memory_space<vmem_shared>>
      tpu.enqueue_indirect_dma source(%dma_start3A_210 : memref<128x64xf32, #tpu.memory_space<vmem>>) target(%dma_start3A_216 : memref<10112x64xf32, #tpu.memory_space<vmem_shared>>) offsets(%dma_start3A_213 : memref<128xi32, #tpu.memory_space<vmem>>) semaphore(%arg12 : memref<!tpu.dma_semaphore, #tpu.memory_space<semaphore_mem>>) {add = true}
      %mul3A_217 = arith.constant 4 : i32
      %mul3A_218 = arith.muli %scan3A_100, %mul3A_217 : i32
      %add3A_219 = arith.constant 3 : i32
      %add3A_220 = arith.addi %mul3A_218, %add3A_219 : i32
      %dma_wait3A_221 = arith.constant 0 : i32
      %dma_wait3A_222 = arith.constant 0 : i32
      %dma_wait3A_223 = arith.constant 1 : i32
      %dma_wait3A_224 = arith.constant 0 : i32
      %dma_wait3A_225 = arith.constant 0 : i32
      %dma_wait3A_226 = tpu.memref_slice %arg7[%dma_wait3A_223, %dma_wait3A_224, %dma_wait3A_225] : memref<2x128x64xf32, #tpu.memory_space<vmem>> -> memref<1x128x64xf32, #tpu.memory_space<vmem>>
      %dma_wait3A_227 = tpu.memref_squeeze %dma_wait3A_226 : memref<1x128x64xf32, #tpu.memory_space<vmem>> -> memref<128x64xf32, #tpu.memory_space<vmem>>
      %dma_wait3A_228 = arith.constant 0 : i32
      %dma_wait3A_229 = tpu.memref_slice %arg6[%dma_wait3A_221, %dma_wait3A_222, %dma_wait3A_228] : memref<4x4x128xi32, #tpu.memory_space<vmem>> -> memref<1x1x128xi32, #tpu.memory_space<vmem>>
      %dma_wait3A_230 = tpu.memref_squeeze %dma_wait3A_229 : memref<1x1x128xi32, #tpu.memory_space<vmem>> -> memref<128xi32, #tpu.memory_space<vmem>>
      %dma_wait3A_231 = arith.constant 0 : i32
      %dma_wait3A_232 = arith.constant 0 : i32
      %dma_wait3A_233 = tpu.memref_slice %arg8[%dma_wait3A_231, %dma_wait3A_232] : memref<10112x64xf32, #tpu.memory_space<vmem_shared>> -> memref<10112x64xf32, #tpu.memory_space<vmem_shared>>
      tpu.wait_indirect_dma semaphore(%arg11 : memref<!tpu.dma_semaphore, #tpu.memory_space<semaphore_mem>>) src(%dma_wait3A_233 : memref<10112x64xf32, #tpu.memory_space<vmem_shared>>) dst(%dma_wait3A_227 : memref<128x64xf32, #tpu.memory_space<vmem>>)
      %add3A_234 = arith.constant 1 : i32
      %add3A_235 = arith.addi %add3A_220, %add3A_234 : i32
      %lt3A_236 = arith.constant 160 : i32
      %lt3A_237 = arith.cmpi slt, %add3A_235, %lt3A_236 : i32
      %convert_element_type3A_238 = arith.extui %lt3A_237 : i1 to i32
      %cond3A_239 = arith.constant 0 : i32
      %cond3A_240 = arith.cmpi ne, %convert_element_type3A_238, %cond3A_239 : i32
      scf.if %cond3A_240 {
        %dma_wait3A_257 = arith.constant 0 : i32
        %dma_wait3A_258 = arith.constant 0 : i32
        %dma_wait3A_259 = arith.constant 0 : i32
        %dma_wait3A_260 = tpu.memref_slice %arg6[%dma_wait3A_257, %dma_wait3A_258, %dma_wait3A_259] : memref<4x4x128xi32, #tpu.memory_space<vmem>> -> memref<1x4x128xi32, #tpu.memory_space<vmem>>
        %dma_wait3A_261 = tpu.memref_squeeze %dma_wait3A_260 : memref<1x4x128xi32, #tpu.memory_space<vmem>> -> memref<4x128xi32, #tpu.memory_space<vmem>>
        %dma_wait3A_262 = arith.constant 0 : i32
        %dma_wait3A_263 = arith.constant 0 : i32
        %dma_wait3A_264 = tpu.memref_slice %arg3[%mul3A_2, %dma_wait3A_262, %dma_wait3A_263] : memref<2560x4x128xi32, #tpu.memory_space<hbm>> -> memref<1x4x128xi32, #tpu.memory_space<hbm>>
        %dma_wait3A_265 = tpu.memref_squeeze %dma_wait3A_264 : memref<1x4x128xi32, #tpu.memory_space<hbm>> -> memref<4x128xi32, #tpu.memory_space<hbm>>
        %dma_wait3A_266 = arith.constant 0 : i32
        %dma_wait3A_267 = arith.constant 0 : i32
        %dma_wait3A_268 = tpu.memref_slice %arg6[%dma_wait3A_257, %dma_wait3A_266, %dma_wait3A_267] : memref<4x4x128xi32, #tpu.memory_space<vmem>> -> memref<1x4x128xi32, #tpu.memory_space<vmem>>
        %dma_wait3A_269 = tpu.memref_squeeze %dma_wait3A_268 : memref<1x4x128xi32, #tpu.memory_space<vmem>> -> memref<4x128xi32, #tpu.memory_space<vmem>>
        %dma_wait3A_270 = arith.constant 0 : i32
        %dma_wait3A_271 = arith.constant 0 : i32
        %dma_wait3A_272 = tpu.memref_slice %arg3[%mul3A_2, %dma_wait3A_270, %dma_wait3A_271] : memref<2560x4x128xi32, #tpu.memory_space<hbm>> -> memref<1x4x128xi32, #tpu.memory_space<hbm>>
        %dma_wait3A_273 = tpu.memref_squeeze %dma_wait3A_272 : memref<1x4x128xi32, #tpu.memory_space<hbm>> -> memref<4x128xi32, #tpu.memory_space<hbm>>
        tpu.wait_dma2 semaphore(%arg14 : memref<!tpu.dma_semaphore, #tpu.memory_space<semaphore_mem>>) src(%dma_wait3A_273 : memref<4x128xi32, #tpu.memory_space<hbm>>) dst(%dma_wait3A_269 : memref<4x128xi32, #tpu.memory_space<vmem>>)
        %dma_wait3A_274 = arith.constant 0 : i32
        %dma_wait3A_275 = arith.constant 0 : i32
        %dma_wait3A_276 = arith.constant 2 : i32
        %dma_wait3A_277 = arith.constant 0 : i32
        %dma_wait3A_278 = arith.constant 0 : i32
        %dma_wait3A_279 = tpu.memref_slice %arg7[%dma_wait3A_274, %dma_wait3A_277, %dma_wait3A_278] : memref<2x128x64xf32, #tpu.memory_space<vmem>> -> memref<1x128x64xf32, #tpu.memory_space<vmem>>
        %dma_wait3A_280 = tpu.memref_squeeze %dma_wait3A_279 : memref<1x128x64xf32, #tpu.memory_space<vmem>> -> memref<128x64xf32, #tpu.memory_space<vmem>>
        %dma_wait3A_281 = arith.constant 0 : i32
        %dma_wait3A_282 = tpu.memref_slice %arg6[%dma_wait3A_275, %dma_wait3A_276, %dma_wait3A_281] : memref<4x4x128xi32, #tpu.memory_space<vmem>> -> memref<1x1x128xi32, #tpu.memory_space<vmem>>
        %dma_wait3A_283 = tpu.memref_squeeze %dma_wait3A_282 : memref<1x1x128xi32, #tpu.memory_space<vmem>> -> memref<128xi32, #tpu.memory_space<vmem>>
        %dma_wait3A_284 = arith.constant 0 : i32
        %dma_wait3A_285 = arith.constant 0 : i32
        %dma_wait3A_286 = tpu.memref_slice %arg9[%dma_wait3A_284, %dma_wait3A_285] : memref<10112x64xf32, #tpu.memory_space<vmem_shared>> -> memref<10112x64xf32, #tpu.memory_space<vmem_shared>>
        tpu.wait_indirect_dma semaphore(%arg12 : memref<!tpu.dma_semaphore, #tpu.memory_space<semaphore_mem>>) src(%dma_wait3A_280 : memref<128x64xf32, #tpu.memory_space<vmem>>) dst(%dma_wait3A_286 : memref<10112x64xf32, #tpu.memory_space<vmem_shared>>)
        %dma_start3A_287 = arith.constant 0 : i32
        %dma_start3A_288 = arith.constant 0 : i32
        %dma_start3A_289 = arith.constant 0 : i32
        %dma_start3A_290 = arith.constant 0 : i32
        %dma_start3A_291 = arith.constant 0 : i32
        %dma_start3A_292 = tpu.memref_slice %arg7[%dma_start3A_289, %dma_start3A_290, %dma_start3A_291] : memref<2x128x64xf32, #tpu.memory_space<vmem>> -> memref<1x128x64xf32, #tpu.memory_space<vmem>>
        %dma_start3A_293 = tpu.memref_squeeze %dma_start3A_292 : memref<1x128x64xf32, #tpu.memory_space<vmem>> -> memref<128x64xf32, #tpu.memory_space<vmem>>
        %dma_start3A_294 = arith.constant 0 : i32
        %dma_start3A_295 = tpu.memref_slice %arg6[%dma_start3A_287, %dma_start3A_288, %dma_start3A_294] : memref<4x4x128xi32, #tpu.memory_space<vmem>> -> memref<1x1x128xi32, #tpu.memory_space<vmem>>
        %dma_start3A_296 = tpu.memref_squeeze %dma_start3A_295 : memref<1x1x128xi32, #tpu.memory_space<vmem>> -> memref<128xi32, #tpu.memory_space<vmem>>
        %dma_start3A_297 = arith.constant 0 : i32
        %dma_start3A_298 = arith.constant 0 : i32
        %dma_start3A_299 = tpu.memref_slice %arg8[%dma_start3A_297, %dma_start3A_298] : memref<10112x64xf32, #tpu.memory_space<vmem_shared>> -> memref<10112x64xf32, #tpu.memory_space<vmem_shared>>
        tpu.enqueue_indirect_dma source(%dma_start3A_299 : memref<10112x64xf32, #tpu.memory_space<vmem_shared>>) target(%dma_start3A_293 : memref<128x64xf32, #tpu.memory_space<vmem>>) offsets(%dma_start3A_296 : memref<128xi32, #tpu.memory_space<vmem>>) semaphore(%arg10 : memref<!tpu.dma_semaphore, #tpu.memory_space<semaphore_mem>>)
        %add3A_300 = arith.constant 2 : i32
        %add3A_301 = arith.addi %add3A_220, %add3A_300 : i32
        %lt3A_302 = arith.constant 160 : i32
        %lt3A_303 = arith.cmpi slt, %add3A_301, %lt3A_302 : i32
        %convert_element_type3A_304 = arith.extui %lt3A_303 : i1 to i32
        %cond3A_305 = arith.constant 0 : i32
        %cond3A_306 = arith.cmpi ne, %convert_element_type3A_304, %cond3A_305 : i32
        scf.if %cond3A_306 {
          %add3A_307 = arith.constant 2 : i32
          %add3A_308 = arith.addi %add3A_220, %add3A_307 : i32
          %add3A_309 = arith.addi %mul3A_2, %add3A_308 : i32
          %dma_start3A_310 = arith.constant 1 : i32
          %dma_start3A_311 = arith.constant 0 : i32
          %dma_start3A_312 = arith.constant 0 : i32
          %dma_start3A_313 = tpu.memref_slice %arg6[%dma_start3A_310, %dma_start3A_311, %dma_start3A_312] : memref<4x4x128xi32, #tpu.memory_space<vmem>> -> memref<1x4x128xi32, #tpu.memory_space<vmem>>
          %dma_start3A_314 = tpu.memref_squeeze %dma_start3A_313 : memref<1x4x128xi32, #tpu.memory_space<vmem>> -> memref<4x128xi32, #tpu.memory_space<vmem>>
          %dma_start3A_315 = arith.constant 0 : i32
          %dma_start3A_316 = arith.constant 0 : i32
          %dma_start3A_317 = tpu.memref_slice %arg3[%add3A_309, %dma_start3A_315, %dma_start3A_316] : memref<2560x4x128xi32, #tpu.memory_space<hbm>> -> memref<1x4x128xi32, #tpu.memory_space<hbm>>
          %dma_start3A_318 = tpu.memref_squeeze %dma_start3A_317 : memref<1x4x128xi32, #tpu.memory_space<hbm>> -> memref<4x128xi32, #tpu.memory_space<hbm>>
          %dma_start3A_319 = arith.constant 0 : i32
          %dma_start3A_320 = arith.constant 0 : i32
          %dma_start3A_321 = tpu.memref_slice %arg6[%dma_start3A_310, %dma_start3A_319, %dma_start3A_320] : memref<4x4x128xi32, #tpu.memory_space<vmem>> -> memref<1x4x128xi32, #tpu.memory_space<vmem>>
          %dma_start3A_322 = tpu.memref_squeeze %dma_start3A_321 : memref<1x4x128xi32, #tpu.memory_space<vmem>> -> memref<4x128xi32, #tpu.memory_space<vmem>>
          %dma_start3A_323 = arith.constant 0 : i32
          %dma_start3A_324 = arith.constant 0 : i32
          %dma_start3A_325 = tpu.memref_slice %arg3[%add3A_309, %dma_start3A_323, %dma_start3A_324] : memref<2560x4x128xi32, #tpu.memory_space<hbm>> -> memref<1x4x128xi32, #tpu.memory_space<hbm>>
          %dma_start3A_326 = tpu.memref_squeeze %dma_start3A_325 : memref<1x4x128xi32, #tpu.memory_space<hbm>> -> memref<4x128xi32, #tpu.memory_space<hbm>>
          tpu.enqueue_dma source(%dma_start3A_326 : memref<4x128xi32, #tpu.memory_space<hbm>>) target(%dma_start3A_322 : memref<4x128xi32, #tpu.memory_space<vmem>>) target_semaphore(%arg15 : memref<!tpu.dma_semaphore, #tpu.memory_space<semaphore_mem>>)
        } else {
        }
      } else {
      }
      %parallel_loop3A_241 = arith.constant 0 : i32
      %parallel_loop3A_242 = arith.constant 128 : i32
      %parallel_loop3A_243 = arith.constant 1 : i32
      scf.for %parallel_loop3A_257 = %parallel_loop3A_241 to %parallel_loop3A_242 step %parallel_loop3A_243  : i32 {
        %parallel_loop3A_258 = arith.constant 3 : i32
        %parallel_loop3A_259 = vector.broadcast %parallel_loop3A_258 : i32 to vector<16xi32>
        %parallel_loop3A_260 = arith.constant 1 : i32
        %parallel_loop3A_261 = vector.broadcast %parallel_loop3A_260 : i32 to vector<16xi32>
        %parallel_loop3A_262 = vector.broadcast %parallel_loop3A_257 : i32 to vector<16xi32>
        %parallel_loop3A_263 = tpu.vector_load_idx %arg6[%parallel_loop3A_259, %parallel_loop3A_261, %parallel_loop3A_262] : memref<4x4x128xi32, #tpu.memory_space<vmem>>[vector<16xi32>, vector<16xi32>, vector<16xi32>], vector<16xi32>,
        %parallel_loop3A_264 = vector.bitcast %parallel_loop3A_263 : vector<16xi32> to vector<16xf32>
        %parallel_loop3A_265 = arith.constant 1 : i32
        %parallel_loop3A_266 = arith.index_cast %parallel_loop3A_265 : i32 to index
        %parallel_loop3A_267 = arith.index_cast %parallel_loop3A_257 : i32 to index
        %parallel_loop3A_268 = arith.constant 0 : index
        %parallel_loop3A_269 = tpu.vector_load %arg7[%parallel_loop3A_266, %parallel_loop3A_267, %parallel_loop3A_268] {strides = array<i32>} : memref<2x128x64xf32, #tpu.memory_space<vmem>>, vector<16xf32>,
        %parallel_loop3A_270 = arith.mulf %parallel_loop3A_269, %parallel_loop3A_264 : vector<16xf32>
        %parallel_loop3A_271 = arith.constant 1 : i32
        %parallel_loop3A_272 = arith.index_cast %parallel_loop3A_271 : i32 to index
        %parallel_loop3A_273 = arith.index_cast %parallel_loop3A_257 : i32 to index
        %parallel_loop3A_274 = arith.constant 0 : index
        %parallel_loop3A_275 = tpu.vector_load %arg7[%parallel_loop3A_272, %parallel_loop3A_273, %parallel_loop3A_274] {strides = array<i32>} : memref<2x128x64xf32, #tpu.memory_space<vmem>>, vector<16xf32>,
        tpu.vector_store %arg7[%parallel_loop3A_272, %parallel_loop3A_273, %parallel_loop3A_274], %parallel_loop3A_270 {strides = array<i32>} : memref<2x128x64xf32, #tpu.memory_space<vmem>>, vector<16xf32>,
        %parallel_loop3A_276 = arith.constant 1 : i32
        %parallel_loop3A_277 = arith.index_cast %parallel_loop3A_276 : i32 to index
        %parallel_loop3A_278 = arith.index_cast %parallel_loop3A_257 : i32 to index
        %parallel_loop3A_279 = arith.constant 16 : index
        %parallel_loop3A_280 = tpu.vector_load %arg7[%parallel_loop3A_277, %parallel_loop3A_278, %parallel_loop3A_279] {strides = array<i32>} : memref<2x128x64xf32, #tpu.memory_space<vmem>>, vector<16xf32>,
        %parallel_loop3A_281 = arith.mulf %parallel_loop3A_280, %parallel_loop3A_264 : vector<16xf32>
        %parallel_loop3A_282 = arith.constant 1 : i32
        %parallel_loop3A_283 = arith.index_cast %parallel_loop3A_282 : i32 to index
        %parallel_loop3A_284 = arith.index_cast %parallel_loop3A_257 : i32 to index
        %parallel_loop3A_285 = arith.constant 16 : index
        %parallel_loop3A_286 = tpu.vector_load %arg7[%parallel_loop3A_283, %parallel_loop3A_284, %parallel_loop3A_285] {strides = array<i32>} : memref<2x128x64xf32, #tpu.memory_space<vmem>>, vector<16xf32>,
        tpu.vector_store %arg7[%parallel_loop3A_283, %parallel_loop3A_284, %parallel_loop3A_285], %parallel_loop3A_281 {strides = array<i32>} : memref<2x128x64xf32, #tpu.memory_space<vmem>>, vector<16xf32>,
        %parallel_loop3A_287 = arith.constant 1 : i32
        %parallel_loop3A_288 = arith.index_cast %parallel_loop3A_287 : i32 to index
        %parallel_loop3A_289 = arith.index_cast %parallel_loop3A_257 : i32 to index
        %parallel_loop3A_290 = arith.constant 32 : index
        %parallel_loop3A_291 = tpu.vector_load %arg7[%parallel_loop3A_288, %parallel_loop3A_289, %parallel_loop3A_290] {strides = array<i32>} : memref<2x128x64xf32, #tpu.memory_space<vmem>>, vector<16xf32>,
        %parallel_loop3A_292 = arith.mulf %parallel_loop3A_291, %parallel_loop3A_264 : vector<16xf32>
        %parallel_loop3A_293 = arith.constant 1 : i32
        %parallel_loop3A_294 = arith.index_cast %parallel_loop3A_293 : i32 to index
        %parallel_loop3A_295 = arith.index_cast %parallel_loop3A_257 : i32 to index
        %parallel_loop3A_296 = arith.constant 32 : index
        %parallel_loop3A_297 = tpu.vector_load %arg7[%parallel_loop3A_294, %parallel_loop3A_295, %parallel_loop3A_296] {strides = array<i32>} : memref<2x128x64xf32, #tpu.memory_space<vmem>>, vector<16xf32>,
        tpu.vector_store %arg7[%parallel_loop3A_294, %parallel_loop3A_295, %parallel_loop3A_296], %parallel_loop3A_292 {strides = array<i32>} : memref<2x128x64xf32, #tpu.memory_space<vmem>>, vector<16xf32>,
        %parallel_loop3A_298 = arith.constant 1 : i32
        %parallel_loop3A_299 = arith.index_cast %parallel_loop3A_298 : i32 to index
        %parallel_loop3A_300 = arith.index_cast %parallel_loop3A_257 : i32 to index
        %parallel_loop3A_301 = arith.constant 48 : index
        %parallel_loop3A_302 = tpu.vector_load %arg7[%parallel_loop3A_299, %parallel_loop3A_300, %parallel_loop3A_301] {strides = array<i32>} : memref<2x128x64xf32, #tpu.memory_space<vmem>>, vector<16xf32>,
        %parallel_loop3A_303 = arith.mulf %parallel_loop3A_302, %parallel_loop3A_264 : vector<16xf32>
        %parallel_loop3A_304 = arith.constant 1 : i32
        %parallel_loop3A_305 = arith.index_cast %parallel_loop3A_304 : i32 to index
        %parallel_loop3A_306 = arith.index_cast %parallel_loop3A_257 : i32 to index
        %parallel_loop3A_307 = arith.constant 48 : index
        %parallel_loop3A_308 = tpu.vector_load %arg7[%parallel_loop3A_305, %parallel_loop3A_306, %parallel_loop3A_307] {strides = array<i32>} : memref<2x128x64xf32, #tpu.memory_space<vmem>>, vector<16xf32>,
        tpu.vector_store %arg7[%parallel_loop3A_305, %parallel_loop3A_306, %parallel_loop3A_307], %parallel_loop3A_303 {strides = array<i32>} : memref<2x128x64xf32, #tpu.memory_space<vmem>>, vector<16xf32>,
      } {sc.loop_unroll_factor = 8 : i64, sc.parallel_access}
      %dma_start3A_244 = arith.constant 1 : i32
      %dma_start3A_245 = arith.constant 3 : i32
      %dma_start3A_246 = arith.constant 2 : i32
      %dma_start3A_247 = arith.constant 0 : i32
      %dma_start3A_248 = arith.constant 0 : i32
      %dma_start3A_249 = tpu.memref_slice %arg7[%dma_start3A_244, %dma_start3A_247, %dma_start3A_248] : memref<2x128x64xf32, #tpu.memory_space<vmem>> -> memref<1x128x64xf32, #tpu.memory_space<vmem>>
      %dma_start3A_250 = tpu.memref_squeeze %dma_start3A_249 : memref<1x128x64xf32, #tpu.memory_space<vmem>> -> memref<128x64xf32, #tpu.memory_space<vmem>>
      %dma_start3A_251 = arith.constant 0 : i32
      %dma_start3A_252 = tpu.memref_slice %arg6[%dma_start3A_245, %dma_start3A_246, %dma_start3A_251] : memref<4x4x128xi32, #tpu.memory_space<vmem>> -> memref<1x1x128xi32, #tpu.memory_space<vmem>>
      %dma_start3A_253 = tpu.memref_squeeze %dma_start3A_252 : memref<1x1x128xi32, #tpu.memory_space<vmem>> -> memref<128xi32, #tpu.memory_space<vmem>>
      %dma_start3A_254 = arith.constant 0 : i32
      %dma_start3A_255 = arith.constant 0 : i32
      %dma_start3A_256 = tpu.memref_slice %arg9[%dma_start3A_254, %dma_start3A_255] : memref<10112x64xf32, #tpu.memory_space<vmem_shared>> -> memref<10112x64xf32, #tpu.memory_space<vmem_shared>>
      tpu.enqueue_indirect_dma source(%dma_start3A_250 : memref<128x64xf32, #tpu.memory_space<vmem>>) target(%dma_start3A_256 : memref<10112x64xf32, #tpu.memory_space<vmem_shared>>) offsets(%dma_start3A_253 : memref<128xi32, #tpu.memory_space<vmem>>) semaphore(%arg13 : memref<!tpu.dma_semaphore, #tpu.memory_space<semaphore_mem>>) {add = true}
    }
    %scan3A_72 = arith.constant 40 : i32
    %dma_wait3A_73 = arith.constant 0 : i32
    %dma_wait3A_74 = arith.constant 0 : i32
    %dma_wait3A_75 = arith.constant 2 : i32
    %dma_wait3A_76 = arith.constant 0 : i32
    %dma_wait3A_77 = arith.constant 0 : i32
    %dma_wait3A_78 = tpu.memref_slice %arg7[%dma_wait3A_73, %dma_wait3A_76, %dma_wait3A_77] : memref<2x128x64xf32, #tpu.memory_space<vmem>> -> memref<1x128x64xf32, #tpu.memory_space<vmem>>
    %dma_wait3A_79 = tpu.memref_squeeze %dma_wait3A_78 : memref<1x128x64xf32, #tpu.memory_space<vmem>> -> memref<128x64xf32, #tpu.memory_space<vmem>>
    %dma_wait3A_80 = arith.constant 0 : i32
    %dma_wait3A_81 = tpu.memref_slice %arg6[%dma_wait3A_74, %dma_wait3A_75, %dma_wait3A_80] : memref<4x4x128xi32, #tpu.memory_space<vmem>> -> memref<1x1x128xi32, #tpu.memory_space<vmem>>
    %dma_wait3A_82 = tpu.memref_squeeze %dma_wait3A_81 : memref<1x1x128xi32, #tpu.memory_space<vmem>> -> memref<128xi32, #tpu.memory_space<vmem>>
    %dma_wait3A_83 = arith.constant 0 : i32
    %dma_wait3A_84 = arith.constant 0 : i32
    %dma_wait3A_85 = tpu.memref_slice %arg9[%dma_wait3A_83, %dma_wait3A_84] : memref<10112x64xf32, #tpu.memory_space<vmem_shared>> -> memref<10112x64xf32, #tpu.memory_space<vmem_shared>>
    tpu.wait_indirect_dma semaphore(%arg12 : memref<!tpu.dma_semaphore, #tpu.memory_space<semaphore_mem>>) src(%dma_wait3A_79 : memref<128x64xf32, #tpu.memory_space<vmem>>) dst(%dma_wait3A_85 : memref<10112x64xf32, #tpu.memory_space<vmem_shared>>)
    %dma_wait3A_86 = arith.constant 1 : i32
    %dma_wait3A_87 = arith.constant 0 : i32
    %dma_wait3A_88 = arith.constant 2 : i32
    %dma_wait3A_89 = arith.constant 0 : i32
    %dma_wait3A_90 = arith.constant 0 : i32
    %dma_wait3A_91 = tpu.memref_slice %arg7[%dma_wait3A_86, %dma_wait3A_89, %dma_wait3A_90] : memref<2x128x64xf32, #tpu.memory_space<vmem>> -> memref<1x128x64xf32, #tpu.memory_space<vmem>>
    %dma_wait3A_92 = tpu.memref_squeeze %dma_wait3A_91 : memref<1x128x64xf32, #tpu.memory_space<vmem>> -> memref<128x64xf32, #tpu.memory_space<vmem>>
    %dma_wait3A_93 = arith.constant 0 : i32
    %dma_wait3A_94 = tpu.memref_slice %arg6[%dma_wait3A_87, %dma_wait3A_88, %dma_wait3A_93] : memref<4x4x128xi32, #tpu.memory_space<vmem>> -> memref<1x1x128xi32, #tpu.memory_space<vmem>>
    %dma_wait3A_95 = tpu.memref_squeeze %dma_wait3A_94 : memref<1x1x128xi32, #tpu.memory_space<vmem>> -> memref<128xi32, #tpu.memory_space<vmem>>
    %dma_wait3A_96 = arith.constant 0 : i32
    %dma_wait3A_97 = arith.constant 0 : i32
    %dma_wait3A_98 = tpu.memref_slice %arg9[%dma_wait3A_96, %dma_wait3A_97] : memref<10112x64xf32, #tpu.memory_space<vmem_shared>> -> memref<10112x64xf32, #tpu.memory_space<vmem_shared>>
    tpu.wait_indirect_dma semaphore(%arg13 : memref<!tpu.dma_semaphore, #tpu.memory_space<semaphore_mem>>) src(%dma_wait3A_92 : memref<128x64xf32, #tpu.memory_space<vmem>>) dst(%dma_wait3A_98 : memref<10112x64xf32, #tpu.memory_space<vmem_shared>>)
    %barrier3A_99 = arith.constant 0 : index
    tpu.barrier barrier_id(%barrier3A_99)
    "tpu.region"() ({
      %run_scoped3A = tpu.sem_alloc : memref<!tpu.dma_semaphore, #tpu.memory_space<semaphore_mem>>
      %dma_start3A_100 = arith.constant 0 : i32
      %dma_start3A_101 = tpu.memref_slice %arg5[%arg0, %mul3A_0, %dma_start3A_100] : memref<2x10112x64xf32, #tpu.memory_space<hbm>> -> memref<1x632x64xf32, #tpu.memory_space<hbm>>
      %dma_start3A_102 = tpu.memref_squeeze %dma_start3A_101 : memref<1x632x64xf32, #tpu.memory_space<hbm>> -> memref<632x64xf32, #tpu.memory_space<hbm>>
      %dma_start3A_103 = arith.constant 0 : i32
      %dma_start3A_104 = tpu.memref_slice %arg9[%mul3A_0, %dma_start3A_103] : memref<10112x64xf32, #tpu.memory_space<vmem_shared>> -> memref<632x64xf32, #tpu.memory_space<vmem_shared>>
      tpu.enqueue_dma source(%dma_start3A_104 : memref<632x64xf32, #tpu.memory_space<vmem_shared>>) target(%dma_start3A_102 : memref<632x64xf32, #tpu.memory_space<hbm>>) target_semaphore(%run_scoped3A : memref<!tpu.dma_semaphore, #tpu.memory_space<semaphore_mem>>)
      %dma_wait3A_105 = arith.constant 0 : i32
      %dma_wait3A_106 = tpu.memref_slice %arg5[%arg0, %mul3A_0, %dma_wait3A_105] : memref<2x10112x64xf32, #tpu.memory_space<hbm>> -> memref<1x632x64xf32, #tpu.memory_space<hbm>>
      %dma_wait3A_107 = tpu.memref_squeeze %dma_wait3A_106 : memref<1x632x64xf32, #tpu.memory_space<hbm>> -> memref<632x64xf32, #tpu.memory_space<hbm>>
      %dma_wait3A_108 = arith.constant 0 : i32
      %dma_wait3A_109 = tpu.memref_slice %arg9[%mul3A_0, %dma_wait3A_108] : memref<10112x64xf32, #tpu.memory_space<vmem_shared>> -> memref<632x64xf32, #tpu.memory_space<vmem_shared>>
      tpu.wait_dma2 semaphore(%run_scoped3A : memref<!tpu.dma_semaphore, #tpu.memory_space<semaphore_mem>>) src(%dma_wait3A_109 : memref<632x64xf32, #tpu.memory_space<vmem_shared>>) dst(%dma_wait3A_107 : memref<632x64xf32, #tpu.memory_space<hbm>>)
      tpu.yield
    }) : () -> ()
    return
  }
}

module attributes {stable_mosaic.version = 14 : i64} {
  func.func @mm_kernel(%arg0: i32, %arg1: memref<2x2000x64xf32, #tpu.memory_space<vmem>>, %arg2: memref<128x128xf32, #tpu.memory_space<vmem>>, %arg3: memref<1x128xf32, #tpu.memory_space<vmem>>, %arg4: memref<2000x128xf32, #tpu.memory_space<vmem>>) attributes {dimension_semantics = [#tpu.dimension_semantics<arbitrary>], iteration_bounds = array<i64: 5>, scalar_prefetch = 0 : i64, scratch_operands = 0 : i64, tpu.core_type = #tpu.core_type<tc>, window_params = [{transform_indices = @transform_0, window_bounds = array<i64: 2, 2000, 64>}, {pipeline_mode = #tpu.pipeline_mode<synchronous>, transform_indices = @transform_1, window_bounds = array<i64: 128, 128>}, {pipeline_mode = #tpu.pipeline_mode<synchronous>, transform_indices = @transform_2, window_bounds = array<i64: 1, 128>}, {transform_indices = @transform_3, window_bounds = array<i64: 2000, 128>}]} {
    %get3A = arith.constant 0 : index
    %get3A_0 = arith.constant 0 : index
    %get3A_1 = arith.constant 0 : index
    %get3A_2 = vector.load %arg1[%get3A, %get3A_0, %get3A_1] : memref<2x2000x64xf32, #tpu.memory_space<vmem>>, vector<1x2000x64xf32>
    %get3A_3 = vector.shape_cast %get3A_2 : vector<1x2000x64xf32> to vector<2000x64xf32>
    %get3A_4 = arith.constant 1 : index
    %get3A_5 = arith.constant 0 : index
    %get3A_6 = arith.constant 0 : index
    %get3A_7 = vector.load %arg1[%get3A_4, %get3A_5, %get3A_6] : memref<2x2000x64xf32, #tpu.memory_space<vmem>>, vector<1x2000x64xf32>
    %get3A_8 = vector.shape_cast %get3A_7 : vector<1x2000x64xf32> to vector<2000x64xf32>
    %concatenate3A = tpu.concatenate %get3A_3, %get3A_8 in 1 : vector<2000x64xf32>, vector<2000x64xf32> -> vector<2000x128xf32>
    %get3A_9 = arith.constant 0 : index
    %get3A_10 = arith.constant 0 : index
    %get3A_11 = vector.load %arg2[%get3A_9, %get3A_10] : memref<128x128xf32, #tpu.memory_space<vmem>>, vector<128x128xf32>
    %dot_general3A = arith.constant dense<0.000000e+00> : vector<2000x128xf32>
    %dot_general3A_12 = tpu.matmul %concatenate3A, %get3A_11, %dot_general3A {dimension_numbers = #tpu.dot_dimension_numbers<[1], [1], [0], [0], [0, 0, 1, 0], [], []>, transpose_lhs_hint = false} : vector<2000x128xf32>, vector<128x128xf32>, vector<2000x128xf32> -> vector<2000x128xf32>
    %get3A_13 = arith.constant 0 : index
    %get3A_14 = arith.constant 0 : index
    %get3A_15 = vector.load %arg3[%get3A_13, %get3A_14] : memref<1x128xf32, #tpu.memory_space<vmem>>, vector<1x128xf32>
    %add3A = vector.broadcast %get3A_15 : vector<1x128xf32> to vector<2000x128xf32>
    %add3A_16 = arith.addf %dot_general3A_12, %add3A : vector<2000x128xf32>
    %swap3A = arith.constant 0 : index
    %swap3A_17 = arith.constant 0 : index
    %swap3A_18 = vector.load %arg4[%swap3A, %swap3A_17] : memref<2000x128xf32, #tpu.memory_space<vmem>>, vector<2000x128xf32>
    tpu.vector_store %arg4[%swap3A, %swap3A_17], %add3A_16 {strides = array<i32>} : memref<2000x128xf32, #tpu.memory_space<vmem>>, vector<2000x128xf32>,
    return
  }
  func.func @transform_0(%arg0: i32) -> (i32, i32, i32) {
    %c0_i32 = arith.constant 0 : i32
    %c0_i32_0 = arith.constant 0 : i32
    %c0_i32_1 = arith.constant 0 : i32
    return %c0_i32, %arg0, %c0_i32_0 : i32, i32, i32
  }
  func.func @transform_1(%arg0: i32) -> (i32, i32) {
    %c0_i32 = arith.constant 0 : i32
    %c0_i32_0 = arith.constant 0 : i32
    %c0_i32_1 = arith.constant 0 : i32
    return %c0_i32, %c0_i32_0 : i32, i32
  }
  func.func @transform_2(%arg0: i32) -> (i32, i32) {
    %c0_i32 = arith.constant 0 : i32
    %c0_i32_0 = arith.constant 0 : i32
    %c0_i32_1 = arith.constant 0 : i32
    return %c0_i32, %c0_i32_0 : i32, i32
  }
  func.func @transform_3(%arg0: i32) -> (i32, i32) {
    %c0_i32 = arith.constant 0 : i32
    %c0_i32_0 = arith.constant 0 : i32
    return %arg0, %c0_i32 : i32, i32
  }
}

</mosaic_0001>

<sc_bundles>
// kernel: kernel.4.cloned.1.call-start
scs
__scs_entry_jumppad:
0x0: {  	(pc) =	sbr.rel $0x88, $3  }
0x1: {  	(tag) =	ssettag $0x0;
	lr =	simm.s32 $0x1  }
0x2: {  	[smem:$0x3F9C] =	sst lr;
	_ =	strace $0xD0000000  }
0x3: {  	_ = 	snop  }
0x4: {  	_ = 	snop  }
0x5: {  	_ = 	snop  }
0x6: {  	_ = 	snop  }
0x7: {  	_ = 	snop  }
__scs_overlays_trampoline_lowered:
0x8: {  	[smem:$0x3FAB] =	sst s0  }
0x9: {  	[smem:$0x3FAC] =	sst s1  }
0xa: {  	[smem:$0x3FAD] =	sst s2  }
0xb: {  	[smem:$0x3FAE] =	sst s3  }
0xc: {  	[smem:$0x3FAF] =	sst s4  }
0xd: {  	[smem:$0x3FB0] =	sst s5  }
0xe: {  	[smem:$0x3FB1] =	sst s6  }
0xf: {  	[smem:$0x3FB2] =	sst s7  }
0x10: {  	[smem:$0x3FB3] =	sst s8  }
0x11: {  	[smem:$0x3FB4] =	sst s9;
	s0 =	simm.s32 @!p0 $0x0  }
0x12: {  	s1 =	sld [smem:$0x3F9A];
	s0 =	simm.s32 @p0 $0x1  }
0x13: {  	[smem:$0x3FB5] =	sst s0;
	s0 =	simm.s32 @!p1 $0x0  }
0x14: {  	s2 =	sld [smem:$0x3F99];
	s0 =	simm.s32 @p1 $0x1  }
0x15: {  	[smem:$0x3FB6] =	sst s0;
	s0 =	simm.s32 @!p2 $0x0  }
0x16: {  	s3 =	sld [smem:$0x3FDB];
	s0 =	simm.s32 @p2 $0x1  }
0x17: {  	s4 =	simm.s32 $0x1BF5;
	[smem:$0x3FB8] =	sst s0  }
0x18: {  	s0 =	sld [smem:$0x3F9B];
	_ =	swait.ge [sflag:s4], $0x0  }
0x19: {  	s7 =	sld [smem:$0x3F9C]  }
0x1a: {  	s8 =	sadd.s32 $0xFFFFE003, lr  }
0x1b: {  	s9 =	sadd.s32 $0xFFFFFEF7, lr;
	s5 =	simm.s32 $0xFFFFFFFF;
	p2 =	slt.u32 s8, $0xFFFFF086  }
0x1c: {  	p1 =	slt.u32 s9, $0xF7A;
	s5 =	simm.s32 @!p2 $0x0  }
0x1d: {  	s5 =	simm.s32 @p1 $0x1;
	p0 =	seq.s32 s7, s2  }
0x1e: {  	s7 =	smul.u32 @!p0 $0xF7A, s2;
	p2 =	seq.s32 @!p0 s5, $0x0  }
0x1f: {  	s9 =	smul.u32 $0xF7A, s1;
	s8 =	simm.s32 @!p0 $0x1BF5;
	p2 =	por !p2, p0  }
0x20: {  	[sflag:s8] =	ssyncset.s32 @!p0 $0xFFFFF086;
	s6 =	sadd.s32 @!p0 s3, s7;
	s7 =	simm.s32 @!p0 $0x108  }
0x21: {  	s3 =	sadd.s32 s3, s9;
	s6 =	sadd.s32 @!p0 $0x88, s6;
	s7 =	simm.s32 @p2 $0x1082  }
0x22: {  	[simem:s7], [sflag:s8] =	dma.local @!p0 [hbm:s6], $0xF7A  }
0x23: {  	s9 =	sor.u32 $0xD0000000, s2;
	s6 =	simm.s32 $0x108;
	_ =	swait.ge @!p0 [sflag:s8], $0x0  }
0x24: {  	s3 =	sadd.s32 $0x88, s3;
	s6 =	simm.s32 @!p1 $0x1082;
	[sflag:s4] =	ssyncset.s32 $0xFFFFF086  }
0x25: {  	[simem:s6], [sflag:s4] =	dma.local [hbm:s3], $0xF7A  }
0x26: {  	[smem:$0x3F9C] =	sst s1;
	(tag) =	ssettag s2;
	_ =	strace s9  }
0x27: {  	s1 =	sld [smem:$0x3FAC]  }
0x28: {  	s2 =	sld [smem:$0x3FAD]  }
0x29: {  	s4 =	sld [smem:$0x3FAF]  }
0x2a: {  	p0 =	seq.s32 s5, $0x0;
	s5 =	sld [smem:$0x3FB0]  }
0x2b: {  	s6 =	sld [smem:$0x3FB1]  }
0x2c: {  	s7 =	sld [smem:$0x3FB2]  }
0x2d: {  	s3 =	simm.s32 $0x108;
	s8 =	sld [smem:$0x3FB3]  }
0x2e: {  	s3 =	simm.s32 @!p0 $0x1082;
	s9 =	sld [smem:$0x3FB4]  }
0x2f: {  	lr =	sadd.s32 s0, s3;
	s0 =	sld [smem:$0x3FAB]  }
0x30: {  	s3 =	sld [smem:$0x3FAE]  }
0x31: {  	[smem:$0x3FB7] =	sst s10  }
0x32: {  	s10 =	sld [smem:$0x3FB5];
	_ =	sdelay $0x3  }
0x33: {  	p0 =	seq.s32 s10, $0x1;
	s10 =	sld [smem:$0x3FB7];
	_ =	sdelay $0x3  }
0x34: {  	[smem:$0x3FB7] =	sst s10  }
0x35: {  	s10 =	sld [smem:$0x3FB6];
	_ =	sdelay $0x3  }
0x36: {  	p1 =	seq.s32 s10, $0x1;
	s10 =	sld [smem:$0x3FB7];
	_ =	sdelay $0x3  }
0x37: {  	[smem:$0x3FB7] =	sst s10  }
0x38: {  	s10 =	sld [smem:$0x3FB8]  }
0x39: {  	_ = 	snop;
	(pc) =	sbr.ind lr, $3  }
0x3a: {  	_ = 	snop  }
0x3b: {  	_ = 	snop  }
0x3c: {  	p2 =	seq.s32 s10, $0x1;
	s10 =	sld [smem:$0x3FB7]  }
0x3d: {  	_ =	shalt  }
0x3e: {  	_ =	shalt  }
0x3f: {  	_ =	shalt  }
0x40: {  	_ =	shalt  }
0x41: {  	_ =	shalt  }
0x42: {  	_ =	shalt  }
0x43: {  	_ =	shalt  }
0x44: {  	_ =	shalt  }
0x45: {  	_ =	shalt  }
0x46: {  	_ =	shalt  }
0x47: {  	_ =	shalt  }
0x48: {  	_ =	shalt  }
0x49: {  	_ =	shalt  }
0x4a: {  	_ =	shalt  }
0x4b: {  	_ =	shalt  }
0x4c: {  	_ =	shalt  }
0x4d: {  	_ =	shalt  }
0x4e: {  	_ =	shalt  }
0x4f: {  	_ =	shalt  }
0x50: {  	_ =	shalt  }
0x51: {  	_ =	shalt  }
0x52: {  	_ =	shalt  }
0x53: {  	_ =	shalt  }
0x54: {  	_ =	shalt  }
0x55: {  	_ =	shalt  }
0x56: {  	_ =	shalt  }
0x57: {  	_ =	shalt  }
0x58: {  	_ =	shalt  }
0x59: {  	_ =	shalt  }
0x5a: {  	_ =	shalt  }
0x5b: {  	_ =	shalt  }
0x5c: {  	_ =	shalt  }
0x5d: {  	_ =	shalt  }
0x5e: {  	_ =	shalt  }
0x5f: {  	_ =	shalt  }
0x60: {  	_ =	shalt  }
0x61: {  	_ =	shalt  }
0x62: {  	_ =	shalt  }
0x63: {  	_ =	shalt  }
0x64: {  	_ =	shalt  }
0x65: {  	_ =	shalt  }
0x66: {  	_ =	shalt  }
0x67: {  	_ =	shalt  }
0x68: {  	_ =	shalt  }
0x69: {  	_ =	shalt  }
0x6a: {  	_ =	shalt  }
0x6b: {  	_ =	shalt  }
0x6c: {  	_ =	shalt  }
0x6d: {  	_ =	shalt  }
0x6e: {  	_ =	shalt  }
0x6f: {  	_ =	shalt  }
0x70: {  	_ =	shalt  }
0x71: {  	_ =	shalt  }
0x72: {  	_ =	shalt  }
0x73: {  	_ =	shalt  }
0x74: {  	_ =	shalt  }
0x75: {  	_ =	shalt  }
0x76: {  	_ =	shalt  }
0x77: {  	_ =	shalt  }
0x78: {  	_ =	shalt  }
0x79: {  	_ =	shalt  }
0x7a: {  	_ =	shalt  }
0x7b: {  	_ =	shalt  }
0x7c: {  	_ =	shalt  }
0x7d: {  	_ =	shalt  }
0x7e: {  	_ =	shalt  }
0x7f: {  	_ =	shalt  }
0x80: {  	_ =	shalt  }
0x81: {  	_ =	shalt  }
0x82: {  	_ =	shalt  }
0x83: {  	_ =	shalt  }
0x84: {  	_ =	shalt  }
0x85: {  	_ =	shalt  }
0x86: {  	_ =	shalt  }
0x87: {  	_ =	shalt  }
.Lfunc_end0:
.L_simem_size_0:
called_computation_lowered:
.L_overlay_start_0:
0x88: {  	s2 =	sld [smem:$0x3FD9]  }
0x89: {  	s3 =	sld [smem:$0x3FFE];
	_ =	sdelay $0x1  }
0x8a: {  	s1 =	srdreg.scid  }
0x8b: {  	s0 =	sand.u32 $0x1, s1  }
0x8c: {  	s17 =	sshll.u32 s0, $0xA;
	s2 =	sadd.s32 s3, s2  }
0x8d: {  	s2 =	sadd.s32 s2, s17  }
0x8e: {  	[smem:$0x3FC3] =	sst s2  }
0x8f: {  	_ = 	snop  }
0x90: {  	s2 =	sld [smem:$0x3FD0];
	(tm) =	ssettm $0x1  }
0x91: {  	s18 =	sld [smem:$0x3FFB];
	_ =	sdelay $0x3  }
0x92: {  	_ =	strace s18  }
0x93: {  	s3 =	sld [smem:$0x3FFC];
	_ =	sdelay $0x3  }
0x94: {  	_ =	strace s3  }
0x95: {  	s3 =	sld [smem:$0x3FFD];
	_ =	sdelay $0x3  }
0x96: {  	_ =	strace s3  }
0x97: {  	_ =	strace $0x8FFFFFFF  }
0x98: {  	s19 =	sld [smem:$0x3FDB];
	_ =	sdelay $0x1  }
0x99: {  	s4 =	simm.s32 $_scs_section_size  }
0x9a: {  	s5 =	simm.s32 $_size__tile_overlayer_lowered;
	s6 =	simm.s32 $_tile_overlayer_lowered  }
0x9b: {  	s22 =	simm.s32 $0x1BFF;
	s21 =	sshll.u32 s6, $0x1;
	s3 =	sadd.s32 s4, s19  }
0x9c: {  	s7 =	simm.s32 $0x0;
	s20 =	sshll.u32 s5, $0x1;
	s5 =	sadd.s32 s21, s3  }
0x9d: {  	[timem:s7], [sflag:s22] =	dma.local [hbm:s5], s20  }
0x9e: {  	_ =	swait.ge [sflag:s22], s20  }
0x9f: {  	s4 =	ssub.s32 $0x0, s20;
	[sflag:s22] =	ssyncset.done $0x0  }
0xa0: {  	[sflag:s22] =	ssyncadd.s32 s4;
	_ =	sdelay $0x1  }
0xa1: {  	s23 =	simm.s32 $0x1B8B  }
0xa2: {  	_ =	swait.ge [sflag:s23], $0x1  }
0xa3: {  	[sflag:s23] =	ssyncset.done $0x0  }
0xa4: {  	s25 =	simm.s32 $0x1B8E;
	s24 =	sld [smem:$0x3FFE];
	[sflag:s23] =	ssyncadd.s32 $0xFFFFFFFF  }
0xa5: {  	s26 =	simm.s32 $execute0_lowered;
	[smem:$0x3FD2] =	sst s25  }
0xa6: {  	s5 =	sshll.u32 s26, $0x1;
	_ =	strace $0x80000046;
	[dreg:$0x1] =	wrdreg $0xFFFFFFFF  }
0xa7: {  	s28 =	simm.s32 $_size_execute0_lowered;
	s3 =	sadd.s32 s3, s5;
	[dreg:$0x0] =	wrdreg $0x0  }
0xa8: {  	s5 =	sshll.u32 s28, $0x1;
	[dreg:$0x2] =	wrdreg s3  }
0xa9: {  	[dreg:$0x3] =	wrdreg s5  }
0xaa: {  	[dreg:$0x4] =	wrdreg $0xC0  }
0xab: {  	_ =	task [dreg:s7], $0x5FFFF  }
0xac: {  	[dreg:$0x1] =	wrdreg $0xFFFFFFFF  }
0xad: {  	[dreg:$0x0] =	wrdreg $0x60  }
0xae: {  	[dreg:$0x2] =	wrdreg s24  }
0xaf: {  	[dreg:$0x3] =	wrdreg s2  }
0xb0: {  	[dreg:$0x4] =	wrdreg $0x48000  }
0xb1: {  	[dreg:$0x5] =	wrdreg $0xE6000  }
0xb2: {  	[dreg:$0x6] =	wrdreg $0x9  }
0xb3: {  	_ =	task.clear_ibuf [dreg:s7], $0x7FFFF;
	_ =	strace $0x90000046  }
0xb4: {  	s29 =	simm.s32 $0x9;
	_ =	strace $0x80000048  }
0xb5: {  	_ =	swait.ge [sflag:s29], $0x1  }
0xb6: {  	[sflag:s29] =	ssyncadd.s32 $0xFFFFFFFF  }
0xb7: {  	_ =	strace $0x90000048  }
0xb8: {  	_ =	sfence  }
0xb9: {  	s30 =	sld [smem:$0x0];
	_ =	sdelay $0x2  }
0xba: {  	s31 =	sshll.u32 s1, $0xD;
	s1 =	sshrl.u32 s1, $0x2  }
0xbb: {  	s3 =	sand.u32 $0x4000, s31;
	s1 =	sadd.s32 s1, s30  }
0xbc: {  	s0 =	sor.u32 s3, s0;
	s1 =	sshll.u32 s1, $0x11  }
0xbd: {  	s0 =	sor.u32 s1, s0  }
0xbe: {  	s0 =	sadd.s32 $0x8F2B, s0  }
0xbf: {  	[sflag:s0] =	ssyncadd.remote.s32 $0x1  }
0xc0: {  	_ =	sfence.sel $0xFFFF  }
0xc1: {  	[dreg:$0x0] =	wrdreg $0xFFFFFFFF;
	(pc) =	sbr.abs _section_cstart, $3  }
0xc2: {  	[dreg:$0x1] =	wrdreg $0xFFFFFFFF  }
0xc3: {  	_ =	task.clear_ibuf [dreg:s7], $0x2FFFF;
	_ =	strace $0x9FFFFFFF  }
0xc4: {  	(tm) =	ssettm $0x7FFFFFFF  }
0xc5: {  	_ =	shalt  }
tec
execute0_lowered:
.L_overlay_start_1:
0x0: {  	(tag) =	ssettag $0x1  }
0x1: {  	s0 =	rddreg [dreg:$0x0]  }
0x2: {  	s3 =	rddreg [dreg:$0x2];
	s1 =	srdreg.scid  }
0x3: {  	s4 =	rddreg [dreg:$0x3];
	s9 =	stileid.u32  }
0x4: {  	s5 =	simm.s32 $0x0;
	s17 =	simm.s32 $0x200;
	s19 =	simm.s32 $0x9  }
0x5: {  	s28 =	simm.s32 $0x400;
	s29 =	simm.s32 $0x100;
	s30 =	simm.s32 $0x2  }
0x6: {  	s31 =	simm.s32 $0x7;
	s15 =	simm.s32 $0x500;
	s7 =	smul.u32 $0x9E00, s9  }
0x7: {  	s16 =	simm.s32 $0x700;
	s18 =	simm.s32 $0x0;
	s8 =	smul.u32 $0x2800, s9  }
0x8: {  	s1 =	sand.u32 $0x1, s1;
	[smem:$0x7FF] =	sst s5;
	s23 =	smul.u32 $0xA0, s9  }
0x9: {  	s6 =	sadd.s32 $0x27E00, s0;
	s2 =	smul.u32 $0x9E000, s1;
	s1 =	ssub.s32 $0x2, s1  }
0xa: {  	s9 =	sshll.u32 s9, $0x6;
	_ =	strace $0x80000047;
	s22 =	sshrl.u32 s1, $0x1  }
0xb: {  	s8 =	sadd.s32 s6, s8;
	s24 =	sadd.s32 s7, s3;
	s11 =	sor.u32 $0x2, s23  }
0xc: {  	s12 =	sor.u32 $0x3, s23;
	s13 =	sor.u32 $0x4, s23;
	s14 =	sor.u32 $0x5, s23  }
0xd: {  	s23 =	simm.s32 $0x800;
	s2 =	sadd.s32 s7, s2;
	s1 =	ssub.s32 s1, s22  }
0xe: {  	[dreg:$0x5] =	wrdreg s8;
	s8 =	sadd.s32 $0x40, s8;
	s7 =	sadd.s32 s7, s4  }
0xf: {  	s26 =	sshrl.u32 s24, $0x3;
	s22 =	simm.s32 $0x80;
	s24 =	simm.s32 $0x1  }
0x10: {  	s2 =	sshrl.u32 s2, $0x3;
	[dreg:$0x6] =	wrdreg s8;
	s25 =	smax.u32 s1, $0x1  }
0x11: {  	[dreg:$0xb] =	wrdreg s26;
	s20 =	sshrl.u32 s7, $0x3;
	s26 =	simm.s32 $0x2800  }
0x12: {  	s1 =	simm.s32 $0x3;
	s0 =	sadd.s32 s2, s0;
	[dreg:$0xa] =	wrdreg s25  }
0x13: {  	s8 =	simm.s32 $0x8;
	[dreg:$0xc] =	wrdreg s20;
	s10 =	sadd.s32 $0x600, s0  }
0x14: {  	s25 =	simm.s32 $0x6;
	s0 =	sadd.s32 $0x4FE00, s0;
	[dreg:$0x7] =	wrdreg s10  }
0x15: {  	v0 =	vimm.s32 $0x0;
	vm0 =	vcmask $0x300;
	s2 =	simm.s32 $0x600;
	s10 =	sor.u32 $0x1C09, s9;
	[dreg:$0x9] =	wrdreg s0  }
0x16: {  	v0 =	vsel vm0, $0x3, v0;
	s0 =	simm.s32 $0x300;
	s9 =	simm.s32 $0x4;
	[dreg:$0x8] =	wrdreg s10  }
.LBB2_1:
0x17: {  	[dreg:$0xd] =	wrdreg s18  }
0x18: {  	s7 =	rddreg [dreg:$0x5]  }
0x19: {  	s21 =	rddreg [dreg:$0x6]  }
0x1a: {  	[tilespmem:s5], [sflag:$0x5] =	stream.linear.gather [hbm4b:s7+s5], $0x200, $0x38;
	[tilespmem:$0x18400] =	vst v63  }
0x1b: {  	s18 =	rddreg [dreg:$0x7]  }
0x1c: {  	[tilespmem:s17], [sflag:$0x6] =	stream.linear.gather [hbm4b:s21+s5], $0x200, $0x38;
	[tilespmem:$0x18400] =	vst v63  }
0x1d: {  	s21 =	rddreg [dreg:$0xb]  }
0x1e: {  	[spmem:s21], [sflag:s10] =	dma.local [hbm:s18], $0x13C0  }
0x1f: {  	_ =	swait.ge [sflag:s19], $0x13C0  }
0x20: {  	[sflag:s19] =	ssyncset.done $0x0  }
0x21: {  	[sflag:s19] =	ssyncadd.s32 $0xFFFFEC40  }
0x22: {  	s18 =	rddreg [dreg:$0x1]  }
0x23: {  	[spmem:s20], [sflag:s10] =	dma.local [hbm:s18], $0x13C0  }
0x24: {  	_ =	swait.ge [sflag:s19], $0x13C0  }
0x25: {  	[sflag:s19] =	ssyncset.done $0x0  }
0x26: {  	[sflag:s19] =	ssyncadd.s32 $0xFFFFEC40  }
0x27: {  	s21 =	simm.s32 $0x5;
	[bflag:$0x0] =	sbarrier.arrive $0xFFFF  }
0x28: {  	_ =	swait.ge [sflag:s21], $0x200  }
0x29: {  	[sflag:s21] =	ssyncset.done $0x0  }
0x2a: {  	s7 =	simm.s32 $0x0;
	[sflag:s21] =	ssyncadd.s32 $0xFFFFFE00  }
0x2b: {  	[tilespmem:s23], [sflag:$0x1] =	stream.indirect.gather [spmem:s3], $0x40, s5, s22, $0xb8;
	[tilespmem:$0x18400] =	vst v63  }
.LBB2_2:
0x2c: {  	_ =	swait.ge [sflag:s24], $0x2000;
	s10 =	simm.s32 $0x0;
	s19 =	simm.s32 $0x1  }
0x2d: {  	s20 =	simm.s32 $0x2;
	s18 =	simm.s32 $0x4;
	s21 =	simm.s32 $0x5;
	v1 =	vmov s10;
	v2 =	vmov s19  }
0x2e: {  	[sflag:s24] =	ssyncset.done $0x0;
	s19 =	simm.s32 $0x3;
	v3 =	vmov s20;
	v5 =	vmov s18;
	v6 =	vmov s21;
	s18 =	simm.s32 $0x6  }
0x2f: {  	[sflag:s24] =	ssyncadd.s32 $0xFFFFE000;
	v1 =	vshrl.u32 v1, $0x3;
	v4 =	vmov s19;
	v7 =	vmov s18  }
0x30: {  	v2 =	vshrl.u32 v2, $0x3;
	v3 =	vshrl.u32 v3, $0x3;
	v5 =	vshrl.u32 v5, $0x3;
	_ =	swait.ge [sflag:s25], $0x200  }
0x31: {  	p0 =	seq.s32 s7, $0x0;
	v6 =	vshrl.u32 v6, $0x3;
	v1 =	vshll.u32 v1, v0;
	v4 =	vshrl.u32 v4, $0x3;
	[sflag:s25] =	ssyncset.done $0x0  }
0x32: {  	s19 =	simm.s32 @!p0 $0x4;
	v7 =	vshrl.u32 v7, $0x3;
	v2 =	vshll.u32 v2, v0;
	v1 =	vadd.s32 $0x80, v1;
	[sflag:s25] =	ssyncadd.s32 $0xFFFFFE00  }
0x33: {  	s21 =	sshll.u32 s7, $0x2;
	v3 =	vshll.u32 v3, v0;
	v2 =	vadd.s32 $0x81, v2;
	v1 =	vbroadcast v1, $0x0;
	_ =	swait.ge @!p0 [sflag:s19], $0x2000  }
0x34: {  	s20 =	sadd.s32 s21, s11;
	v4 =	vshll.u32 v4, v0;
	v3 =	vadd.s32 $0x82, v3;
	v2 =	vbroadcast v2, $0x0;
	[sflag:s19] =	ssyncset.done @!p0 $0x0  }
0x35: {  	s18 =	simm.s32 $0x7;
	v5 =	vshll.u32 v5, v0;
	v4 =	vadd.s32 $0x83, v4;
	v3 =	vbroadcast v3, $0x0;
	[sflag:s19] =	ssyncadd.s32 @!p0 $0xFFFFE000;
	s19 =	sshll.u32 s20, $0x6  }
0x36: {  	v6 =	vshll.u32 v6, v0;
	v5 =	vadd.s32 $0x84, v5;
	v4 =	vbroadcast v4, $0x0;
	[tilespmem:s26], [sflag:$0x2] =	stream.indirect.gather [spmem:s3], $0x40, s17, s22, $0xb8;
	[tilespmem:$0x18400] =	vst v63  }
0x37: {  	v8 =	vmov s18;
	v6 =	vadd.s32 $0x85, v6;
	v5 =	vbroadcast v5, $0x0;
	s19 =	sadd.s32 s6, s19  }
0x38: {  	v7 =	vshll.u32 v7, v0;
	v8 =	vshrl.u32 v8, $0x3;
	v6 =	vbroadcast v6, $0x0;
	[tilespmem:s28], [sflag:$0x7] =	stream.linear.gather [hbm4b:s19+s10], $0x200, $0x38;
	[tilespmem:$0x18400] =	vst v63  }
0x39: {  	v7 =	vadd.s32 $0x86, v7;
	v8 =	vshll.u32 v8, v0;
	v9 =	vld.idx.msk [tilespmem:v1+s5+$0x0], $0xffff  }
0x3a: {  	v1 =	vbroadcast v7, $0x0;
	v7 =	vadd.s32 $0x87, v8;
	v8 =	vld.idx.msk [tilespmem:v2+s5+$0x0], $0xffff  }
0x3b: {  	v10 =	vld.idx.msk [tilespmem:v3+s5+$0x0], $0xffff  }
0x3c: {  	v4 =	vld.idx.msk [tilespmem:v4+s5+$0x0], $0xffff;
	v7 =	vbroadcast v7, $0x0  }
0x3d: {  	v11 =	vld.idx.msk [tilespmem:v5+s5+$0x0], $0xffff  }
0x3e: {  	s20 =	simm.s32 $0x900;
	v3 =	vld.idx.msk [tilespmem:v6+s5+$0x0], $0xffff  }
0x3f: {  	v5 =	vld [tilespmem:s20+$0xF0]  }
0x40: {  	v6 =	vld [tilespmem:s20+$0xFFFFFF00]  }
0x41: {  	v2 =	vld.idx.msk [tilespmem:v1+s5+$0x0], $0xffff  }
0x42: {  	v1 =	vld.idx.msk [tilespmem:v7+s5+$0x0], $0xffff  }
0x43: {  	v7 =	vld [tilespmem:s20+$0xFFFFFF10]  }
0x44: {  	v12 =	vld [tilespmem:s20+$0xFFFFFF20]  }
0x45: {  	v13 =	vld [tilespmem:s20+$0xFFFFFF30]  }
0x46: {  	v14 =	vld [tilespmem:s20+$0xFFFFFF40];
	v6 =	vmul.f32 v9, v6  }
0x47: {  	v15 =	vld [tilespmem:s20+$0xFFFFFF50];
	v5 =	vmul.f32 v1, v5  }
0x48: {  	v16 =	vld [tilespmem:s20+$0xFFFFFF60];
	[tilespmem:s20+$0xFFFFFF00] =	vst v6;
	v7 =	vmul.f32 v9, v7  }
0x49: {  	v6 =	vld [tilespmem:s20+$0xFFFFFF70];
	[tilespmem:s20+$0xF0] =	vst v5;
	v5 =	vmul.f32 v9, v12  }
0x4a: {  	[tilespmem:s20+$0xFFFFFF10] =	vst v7;
	v7 =	vmul.f32 v9, v13;
	v9 =	vld [tilespmem:s20+$0xFFFFFF80]  }
0x4b: {  	v12 =	vld [tilespmem:s20+$0xFFFFFF90];
	[tilespmem:s20+$0xFFFFFF20] =	vst v5;
	v5 =	vmul.f32 v8, v14  }
0x4c: {  	v13 =	vld [tilespmem:s20+$0xFFFFFFA0];
	[tilespmem:s20+$0xFFFFFF30] =	vst v7;
	v7 =	vmul.f32 v8, v15  }
0x4d: {  	s19 =	simm.s32 $0x8;
	v14 =	vld [tilespmem:s20+$0xFFFFFFB0];
	[tilespmem:s20+$0xFFFFFF40] =	vst v5;
	v5 =	vmul.f32 v8, v16  }
0x4e: {  	s18 =	simm.s32 $0x9;
	v6 =	vmul.f32 v8, v6;
	v15 =	vmov s19;
	[tilespmem:s20+$0xFFFFFF50] =	vst v7;
	v7 =	vld [tilespmem:s20+$0xFFFFFFC0]  }
0x4f: {  	s19 =	simm.s32 $0xA;
	v8 =	vshrl.u32 v15, $0x3;
	v15 =	vmov s18;
	s18 =	simm.s32 $0xB;
	[tilespmem:s20+$0xFFFFFF60] =	vst v5;
	v5 =	vmul.f32 v10, v9;
	v9 =	vld [tilespmem:s20+$0xFFFFFFD0]  }
0x50: {  	[tilespmem:s20+$0xFFFFFF70] =	vst v6;
	v16 =	vmov s19;
	s19 =	simm.s32 $0xC;
	v17 =	vmov s18;
	v6 =	vmul.f32 v10, v12;
	v12 =	vld [tilespmem:s20+$0xFFFFFFE0]  }
0x51: {  	s18 =	simm.s32 $0xD;
	v18 =	vmov s19;
	s19 =	simm.s32 $0xE;
	v8 =	vshll.u32 v8, v0;
	[tilespmem:s20+$0xFFFFFF80] =	vst v5;
	v5 =	vmul.f32 v10, v13;
	v13 =	vld [tilespmem:s20+$0xFFFFFFF0]  }
0x52: {  	v19 =	vmov s18;
	v20 =	vmov s19;
	[tilespmem:s20+$0xFFFFFF90] =	vst v6;
	v6 =	vmul.f32 v10, v14;
	v10 =	vld [tilespmem:s20+$0x0]  }
0x53: {  	v8 =	vadd.s32 $0x80, v8;
	v14 =	vshrl.u32 v15, $0x3;
	[tilespmem:s20+$0xFFFFFFA0] =	vst v5;
	v5 =	vmul.f32 v4, v7;
	v7 =	vld [tilespmem:s20+$0x10]  }
0x54: {  	v15 =	vshrl.u32 v16, $0x3;
	v16 =	vshrl.u32 v17, $0x3;
	[tilespmem:s20+$0xFFFFFFB0] =	vst v6;
	v6 =	vmul.f32 v4, v9;
	v9 =	vld [tilespmem:s20+$0x20]  }
0x55: {  	v17 =	vshrl.u32 v18, $0x3;
	v18 =	vshrl.u32 v19, $0x3;
	[tilespmem:s20+$0xFFFFFFC0] =	vst v5;
	v5 =	vmul.f32 v4, v12;
	v12 =	vld [tilespmem:s20+$0x30]  }
0x56: {  	v19 =	vshrl.u32 v20, $0x3;
	v14 =	vshll.u32 v14, v0;
	[tilespmem:s20+$0xFFFFFFD0] =	vst v6;
	v4 =	vmul.f32 v4, v13;
	v13 =	vld [tilespmem:s20+$0x40]  }
0x57: {  	v15 =	vshll.u32 v15, v0;
	v16 =	vshll.u32 v16, v0;
	v6 =	vmul.f32 v11, v10;
	v10 =	vld [tilespmem:s20+$0x50];
	[tilespmem:s20+$0xFFFFFFE0] =	vst v5  }
0x58: {  	v63 =	vld [tilespmem:s20+$0x60];
	v17 =	vshll.u32 v17, v0;
	v18 =	vshll.u32 v18, v0;
	[tilespmem:s20+$0xFFFFFFF0] =	vst v4;
	v4 =	vmul.f32 v11, v7  }
0x59: {  	v19 =	vshll.u32 v19, v0;
	v16 =	vadd.s32 $0x83, v16;
	[tilespmem:s20+$0x0] =	vst v6;
	v6 =	vld [tilespmem:s20+$0x70];
	v7 =	vmul.f32 v11, v9  }
0x5a: {  	v5 =	vbroadcast v8, $0x0;
	v8 =	vadd.s32 $0x81, v14;
	[tilespmem:s20+$0x10] =	vst v4;
	v11 =	vmul.f32 v11, v12;
	v4 =	vld [tilespmem:s20+$0x80]  }
0x5b: {  	v14 =	vadd.s32 $0x82, v15;
	v12 =	vadd.s32 $0x84, v17;
	[tilespmem:s20+$0x20] =	vst v7;
	v17 =	vmul.f32 v3, v13;
	v7 =	vld [tilespmem:s20+$0x90]  }
0x5c: {  	v9 =	vbroadcast v8, $0x0;
	v8 =	vld [tilespmem:s20+$0xA0];
	v13 =	vadd.s32 $0x85, v18;
	v15 =	vmul.f32 v3, v10;
	[tilespmem:s20+$0x30] =	vst v11  }
0x5d: {  	s10 =	simm.s32 $0x10;
	s19 =	simm.s32 $0xF;
	v10 =	vld [tilespmem:s20+$0xB0];
	v11 =	vbroadcast v14, $0x0;
	v14 =	vadd.s32 $0x86, v19;
	[tilespmem:s20+$0x40] =	vst v17;
	v17 =	vmul.f32 v3, v63  }
.LBB2_3:
0x5e: {  	p0 =	slt.u32 s10, $0x78;
	v16 =	vbroadcast v16, $0x0;
	v18 =	vmov s19;
	[tilespmem:s20+$0x50] =	vst v15;
	v3 =	vmul.f32 v3, v6;
	v6 =	vld [tilespmem:s20+$0xC0]  }
0x5f: {  	v12 =	vbroadcast v12, $0x0;
	v15 =	vshrl.u32 v18, $0x3;
	[tilespmem:s20+$0x60] =	vst v17;
	v4 =	vmul.f32 v2, v4;
	v17 =	vld [tilespmem:s20+$0xD0]  }
0x60: {  	v13 =	vbroadcast v13, $0x0;
	v15 =	vshll.u32 v15, v0;
	[tilespmem:s20+$0x70] =	vst v3;
	v3 =	vmul.f32 v2, v7;
	v7 =	vld [tilespmem:s20+$0xE0]  }
0x61: {  	v14 =	vbroadcast v14, $0x0;
	v5 =	vld.idx.msk [tilespmem:v5+s5+$0x0], $0xffff;
	v15 =	vadd.s32 $0x87, v15;
	[tilespmem:s20+$0x80] =	vst v4;
	v4 =	vmul.f32 v2, v8  }
0x62: {  	v8 =	vld.idx.msk [tilespmem:v9+s5+$0x0], $0xffff;
	v9 =	vbroadcast v15, $0x0;
	[tilespmem:s20+$0x90] =	vst v3;
	v2 =	vmul.f32 v2, v10  }
0x63: {  	v10 =	vld.idx.msk [tilespmem:v11+s5+$0x0], $0xffff;
	[tilespmem:s20+$0xA0] =	vst v4;
	v3 =	vmul.f32 v1, v6  }
0x64: {  	v6 =	vld.idx.msk [tilespmem:v16+s5+$0x0], $0xffff;
	[tilespmem:s20+$0xB0] =	vst v2;
	v2 =	vmul.f32 v1, v17  }
0x65: {  	v4 =	vld.idx.msk [tilespmem:v12+s5+$0x0], $0xffff;
	[tilespmem:s20+$0xC0] =	vst v3;
	v1 =	vmul.f32 v1, v7  }
0x66: {  	v3 =	vld.idx.msk [tilespmem:v13+s5+$0x0], $0xffff;
	[tilespmem:s20+$0xD0] =	vst v2  }
0x67: {  	v2 =	vld.idx.msk [tilespmem:v14+s5+$0x0], $0xffff;
	[tilespmem:s20+$0xE0] =	vst v1  }
0x68: {  	s20 =	sadd.s32 $0x200, s20;
	v1 =	vld.idx.msk [tilespmem:v9+s5+$0x0], $0xffff  }
0x69: {  	v7 =	vld [tilespmem:s20+$0xF0]  }
0x6a: {  	v9 =	vld [tilespmem:s20+$0xFFFFFF00]  }
0x6b: {  	v11 =	vld [tilespmem:s20+$0xFFFFFF10]  }
0x6c: {  	v12 =	vld [tilespmem:s20+$0xFFFFFF20]  }
0x6d: {  	v13 =	vld [tilespmem:s20+$0xFFFFFF30]  }
0x6e: {  	v14 =	vld [tilespmem:s20+$0xFFFFFF40];
	v7 =	vmul.f32 v1, v7  }
0x6f: {  	v9 =	vmul.f32 v5, v9;
	v15 =	vld [tilespmem:s20+$0xFFFFFF50]  }
0x70: {  	v11 =	vmul.f32 v5, v11;
	v16 =	vld [tilespmem:s20+$0xFFFFFF60];
	[tilespmem:s20+$0xF0] =	vst v7  }
0x71: {  	[tilespmem:s20+$0xFFFFFF00] =	vst v9;
	v7 =	vmul.f32 v5, v12;
	v9 =	vld [tilespmem:s20+$0xFFFFFF70]  }
0x72: {  	[tilespmem:s20+$0xFFFFFF10] =	vst v11;
	v5 =	vmul.f32 v5, v13;
	v11 =	vld [tilespmem:s20+$0xFFFFFF80]  }
0x73: {  	[tilespmem:s20+$0xFFFFFF20] =	vst v7;
	v7 =	vmul.f32 v8, v14;
	v12 =	vld [tilespmem:s20+$0xFFFFFF90]  }
0x74: {  	[tilespmem:s20+$0xFFFFFF30] =	vst v5;
	v5 =	vmul.f32 v8, v15;
	v13 =	vld [tilespmem:s20+$0xFFFFFFA0]  }
0x75: {  	[tilespmem:s20+$0xFFFFFF40] =	vst v7;
	v7 =	vmul.f32 v8, v16;
	v14 =	vld [tilespmem:s20+$0xFFFFFFB0]  }
0x76: {  	s19 =	sadd.s32 $0x1, s10;
	v15 =	vmov s10;
	[tilespmem:s20+$0xFFFFFF50] =	vst v5;
	v5 =	vmul.f32 v8, v9;
	v8 =	vld [tilespmem:s20+$0xFFFFFFC0]  }
0x77: {  	s18 =	sadd.s32 $0x3, s10;
	v9 =	vshrl.u32 v15, $0x3;
	v15 =	vmov s19;
	s19 =	sadd.s32 $0x2, s10;
	[tilespmem:s20+$0xFFFFFF60] =	vst v7;
	v7 =	vmul.f32 v10, v11;
	v11 =	vld [tilespmem:s20+$0xFFFFFFD0]  }
0x78: {  	v17 =	vmov s18;
	s18 =	sadd.s32 $0x4, s10;
	v16 =	vmov s19;
	s19 =	sadd.s32 $0x5, s10;
	[tilespmem:s20+$0xFFFFFF70] =	vst v5;
	v5 =	vmul.f32 v10, v12;
	v12 =	vld [tilespmem:s20+$0xFFFFFFE0]  }
0x79: {  	v18 =	vmov s18;
	s18 =	sadd.s32 $0x6, s10;
	v19 =	vmov s19;
	[tilespmem:s20+$0xFFFFFF80] =	vst v7;
	v7 =	vmul.f32 v10, v13;
	v13 =	vld [tilespmem:s20+$0xFFFFFFF0]  }
0x7a: {  	v20 =	vmov s18;
	v9 =	vshll.u32 v9, v0;
	[tilespmem:s20+$0xFFFFFF90] =	vst v5;
	v5 =	vmul.f32 v10, v14;
	v10 =	vld [tilespmem:s20+$0x0]  }
0x7b: {  	v14 =	vshrl.u32 v15, $0x3;
	v15 =	vshrl.u32 v16, $0x3;
	[tilespmem:s20+$0xFFFFFFA0] =	vst v7;
	v7 =	vmul.f32 v6, v8;
	v8 =	vld [tilespmem:s20+$0x10]  }
0x7c: {  	v16 =	vshrl.u32 v17, $0x3;
	v17 =	vshrl.u32 v18, $0x3;
	[tilespmem:s20+$0xFFFFFFB0] =	vst v5;
	v5 =	vmul.f32 v6, v11;
	v11 =	vld [tilespmem:s20+$0x20]  }
0x7d: {  	v18 =	vshrl.u32 v19, $0x3;
	v19 =	vshrl.u32 v20, $0x3;
	[tilespmem:s20+$0xFFFFFFC0] =	vst v7;
	v7 =	vmul.f32 v6, v12;
	v12 =	vld [tilespmem:s20+$0x30]  }
0x7e: {  	v9 =	vadd.s32 $0x80, v9;
	v14 =	vshll.u32 v14, v0;
	[tilespmem:s20+$0xFFFFFFD0] =	vst v5;
	v5 =	vmul.f32 v6, v13;
	v13 =	vld [tilespmem:s20+$0x40]  }
0x7f: {  	v15 =	vshll.u32 v15, v0;
	v16 =	vshll.u32 v16, v0;
	[tilespmem:s20+$0xFFFFFFE0] =	vst v7;
	v6 =	vmul.f32 v4, v10;
	v10 =	vld [tilespmem:s20+$0x50]  }
0x80: {  	v7 =	vshll.u32 v17, v0;
	v17 =	vshll.u32 v18, v0;
	[tilespmem:s20+$0xFFFFFFF0] =	vst v5;
	v8 =	vmul.f32 v4, v8;
	v18 =	vld [tilespmem:s20+$0x60]  }
.Ltmp0:
0x81: {  	v19 =	vshll.u32 v19, v0;
	v5 =	vbroadcast v9, $0x0;
	[tilespmem:s20+$0x0] =	vst v6;
	v9 =	vmul.f32 v4, v11;
	v6 =	vld [tilespmem:s20+$0x70];
	(pc) =	sbr.rel @p0 .LBB2_3-.Ltmp0, $4  }
0x82: {  	v11 =	vadd.s32 $0x81, v14;
	v14 =	vadd.s32 $0x82, v15;
	[tilespmem:s20+$0x10] =	vst v8;
	v8 =	vmul.f32 v4, v12;
	v4 =	vld [tilespmem:s20+$0x80]  }
0x83: {  	v16 =	vadd.s32 $0x83, v16;
	v12 =	vadd.s32 $0x84, v7;
	[tilespmem:s20+$0x20] =	vst v9;
	v20 =	vmul.f32 v3, v13;
	v7 =	vld [tilespmem:s20+$0x90]  }
0x84: {  	v9 =	vbroadcast v11, $0x0;
	v13 =	vadd.s32 $0x85, v17;
	[tilespmem:s20+$0x30] =	vst v8;
	v15 =	vmul.f32 v3, v10;
	v8 =	vld [tilespmem:s20+$0xA0]  }
0x85: {  	s19 =	sadd.s32 $0x7, s10;
	s10 =	sadd.s32 $0x8, s10;
	v11 =	vbroadcast v14, $0x0;
	v14 =	vadd.s32 $0x86, v19;
	[tilespmem:s20+$0x40] =	vst v20;
	v17 =	vmul.f32 v3, v18;
	v10 =	vld [tilespmem:s20+$0xB0]  }
0x86: {  	_ = 	snop  }
0x87: {  	v19 =	vld [tilespmem:s20+$0xC0]  }
0x88: {  	v20 =	vld [tilespmem:s20+$0xD0]  }
0x89: {  	v18 =	vmov s19;
	v21 =	vld [tilespmem:s20+$0xE0]  }
0x8a: {  	v5 =	vld.idx.msk [tilespmem:v5+s5+$0x0], $0xffff;
	v18 =	vshrl.u32 v18, $0x3  }
0x8b: {  	v16 =	vbroadcast v16, $0x0;
	v9 =	vld.idx.msk [tilespmem:v9+s5+$0x0], $0xffff;
	v3 =	vmul.f32 v3, v6;
	v18 =	vshll.u32 v18, v0  }
0x8c: {  	v13 =	vbroadcast v13, $0x0;
	[tilespmem:s20+$0x50] =	vst v15;
	s10 =	sadd.s32 $0x200, s20;
	v11 =	vld.idx.msk [tilespmem:v11+s5+$0x0], $0xffff;
	v4 =	vmul.f32 v2, v4;
	v18 =	vadd.s32 $0x87, v18  }
0x8d: {  	v15 =	vld [tilespmem:s10+$0xFFFFFF60];
	[tilespmem:s20+$0x70] =	vst v3;
	v3 =	vmul.f32 v2, v7;
	v18 =	vbroadcast v18, $0x0  }
0x8e: {  	v14 =	vbroadcast v14, $0x0;
	[tilespmem:s20+$0x80] =	vst v4;
	v4 =	vmul.f32 v2, v8;
	v8 =	vld [tilespmem:s10+$0xF0]  }
0x8f: {  	[tilespmem:s20+$0x90] =	vst v3;
	v3 =	vld [tilespmem:s10+$0xFFFFFF00]  }
0x90: {  	v2 =	vmul.f32 v2, v10;
	v10 =	vld [tilespmem:s10+$0xFFFFFF10]  }
0x91: {  	v16 =	vld.idx.msk [tilespmem:v16+s5+$0x0], $0xffff  }
0x92: {  	v6 =	vld.idx.msk [tilespmem:v13+s5+$0x0], $0xffff  }
0x93: {  	v12 =	vbroadcast v12, $0x0;
	[tilespmem:s20+$0xA0] =	vst v4;
	v4 =	vmul.f32 v1, v19;
	v7 =	vld.idx.msk [tilespmem:v18+s5+$0x0], $0xffff  }
0x94: {  	v13 =	vld.idx.msk [tilespmem:v14+s5+$0x0], $0xffff;
	[tilespmem:s20+$0xB0] =	vst v2;
	v2 =	vmul.f32 v1, v20  }
0x95: {  	v14 =	vld [tilespmem:s10+$0xFFFFFF20];
	v1 =	vmul.f32 v1, v21;
	[tilespmem:s20+$0xC0] =	vst v4  }
0x96: {  	v4 =	vld [tilespmem:s10+$0xFFFFFF30];
	[tilespmem:s20+$0xD0] =	vst v2  }
0x97: {  	v2 =	vld [tilespmem:s10+$0xFFFFFF40];
	[tilespmem:s20+$0xE0] =	vst v1;
	v1 =	vmul.f32 v5, v3  }
0x98: {  	[tilespmem:s20+$0x60] =	vst v17;
	v3 =	vld [tilespmem:s10+$0xFFFFFF50];
	v8 =	vmul.f32 v7, v8  }
0x99: {  	v12 =	vld.idx.msk [tilespmem:v12+s5+$0x0], $0xffff;
	v10 =	vmul.f32 v5, v10;
	[tilespmem:s10+$0xFFFFFF00] =	vst v1  }
0x9a: {  	v1 =	vmul.f32 v5, v14;
	[tilespmem:s10+$0xF0] =	vst v8;
	v8 =	vld [tilespmem:s10+$0xFFFFFF70]  }
0x9b: {  	[tilespmem:s10+$0xFFFFFF10] =	vst v10;
	v4 =	vmul.f32 v5, v4;
	v5 =	vld [tilespmem:s10+$0xFFFFFF80]  }
0x9c: {  	[tilespmem:s10+$0xFFFFFF20] =	vst v1;
	v1 =	vmul.f32 v9, v2;
	v2 =	vld [tilespmem:s10+$0xFFFFFF90]  }
0x9d: {  	[tilespmem:s10+$0xFFFFFF30] =	vst v4;
	v3 =	vmul.f32 v9, v3;
	v4 =	vld [tilespmem:s10+$0xFFFFFFA0]  }
0x9e: {  	v10 =	vld [tilespmem:s10+$0xFFFFFFB0];
	[tilespmem:s10+$0xFFFFFF40] =	vst v1;
	v1 =	vmul.f32 v9, v15  }
0x9f: {  	[tilespmem:s10+$0xFFFFFF50] =	vst v3;
	v3 =	vmul.f32 v9, v8;
	v8 =	vld [tilespmem:s10+$0xFFFFFFC0]  }
0xa0: {  	[tilespmem:s10+$0xFFFFFF60] =	vst v1;
	v1 =	vmul.f32 v11, v5;
	v5 =	vld [tilespmem:s10+$0xFFFFFFD0]  }
0xa1: {  	v2 =	vmul.f32 v11, v2;
	[tilespmem:s10+$0xFFFFFF70] =	vst v3;
	v3 =	vld [tilespmem:s10+$0xFFFFFFE0]  }
0xa2: {  	[tilespmem:s10+$0xFFFFFF80] =	vst v1;
	v1 =	vmul.f32 v11, v4;
	v4 =	vld [tilespmem:s10+$0xFFFFFFF0]  }
0xa3: {  	[tilespmem:s10+$0xFFFFFF90] =	vst v2;
	v2 =	vmul.f32 v11, v10;
	v9 =	vld [tilespmem:s10+$0x0]  }
0xa4: {  	[tilespmem:s10+$0xFFFFFFA0] =	vst v1;
	v1 =	vmul.f32 v16, v8;
	v8 =	vld [tilespmem:s10+$0x10]  }
0xa5: {  	[tilespmem:s10+$0xFFFFFFB0] =	vst v2;
	v2 =	vmul.f32 v16, v5;
	v5 =	vld [tilespmem:s10+$0x20]  }
0xa6: {  	[tilespmem:s10+$0xFFFFFFC0] =	vst v1;
	v1 =	vmul.f32 v16, v3;
	v3 =	vld [tilespmem:s10+$0x30]  }
0xa7: {  	[tilespmem:s10+$0xFFFFFFD0] =	vst v2;
	v2 =	vmul.f32 v16, v4;
	v4 =	vld [tilespmem:s10+$0x40]  }
0xa8: {  	[tilespmem:s10+$0xFFFFFFE0] =	vst v1;
	v1 =	vmul.f32 v12, v9;
	v9 =	vld [tilespmem:s10+$0x50]  }
0xa9: {  	[tilespmem:s10+$0xFFFFFFF0] =	vst v2;
	v2 =	vmul.f32 v12, v8;
	v8 =	vld [tilespmem:s10+$0x60]  }
0xaa: {  	[tilespmem:s10+$0x0] =	vst v1;
	v1 =	vmul.f32 v12, v5;
	v5 =	vld [tilespmem:s10+$0x70]  }
0xab: {  	[tilespmem:s10+$0x10] =	vst v2;
	v2 =	vmul.f32 v12, v3;
	v3 =	vld [tilespmem:s10+$0x80]  }
0xac: {  	[tilespmem:s10+$0x20] =	vst v1;
	v1 =	vmul.f32 v6, v4;
	v4 =	vld [tilespmem:s10+$0x90]  }
0xad: {  	[tilespmem:s10+$0x30] =	vst v2;
	v2 =	vmul.f32 v6, v9;
	v9 =	vld [tilespmem:s10+$0xA0]  }
0xae: {  	[tilespmem:s10+$0x40] =	vst v1;
	v1 =	vmul.f32 v6, v8;
	v8 =	vld [tilespmem:s10+$0xB0]  }
0xaf: {  	[tilespmem:s10+$0x50] =	vst v2;
	v2 =	vmul.f32 v6, v5;
	v5 =	vld [tilespmem:s10+$0xC0]  }
0xb0: {  	[tilespmem:s10+$0x60] =	vst v1;
	v1 =	vmul.f32 v13, v3;
	v3 =	vld [tilespmem:s10+$0xD0]  }
0xb1: {  	[tilespmem:s10+$0x70] =	vst v2;
	v2 =	vmul.f32 v13, v4;
	v4 =	vld [tilespmem:s10+$0xE0]  }
0xb2: {  	[tilespmem:s10+$0x80] =	vst v1;
	v1 =	vmul.f32 v13, v9  }
0xb3: {  	[tilespmem:s10+$0x90] =	vst v2;
	v2 =	vmul.f32 v13, v8  }
0xb4: {  	[tilespmem:s10+$0xA0] =	vst v1;
	v1 =	vmul.f32 v7, v5  }
0xb5: {  	[tilespmem:s10+$0xB0] =	vst v2;
	v2 =	vmul.f32 v7, v3  }
0xb6: {  	[tilespmem:s10+$0xC0] =	vst v1;
	v1 =	vmul.f32 v7, v4  }
0xb7: {  	[tilespmem:s10+$0xD0] =	vst v2  }
0xb8: {  	s19 =	simm.s32 $0x2;
	[tilespmem:s10+$0xE0] =	vst v1  }
0xb9: {  	[spmem:s4] =	stream.indirect.scatter.add.f32 [tilespmem:s23], [sflag:$0x3], $0x40, s29, s22, $0xb8;
	[tilespmem:$0x18400] =	vst v63  }
0xba: {  	s18 =	simm.s32 $0x0;
	v3 =	vmov s19;
	s19 =	simm.s32 $0x4;
	_ =	swait.ge [sflag:s30], $0x2000  }
0xbb: {  	s20 =	simm.s32 $0x1;
	v5 =	vmov s19;
	v3 =	vshrl.u32 v3, $0x3;
	v2 =	vmov s18;
	[sflag:s30] =	ssyncset.done $0x0  }
0xbc: {  	v5 =	vshrl.u32 v5, $0x3;
	v3 =	vshll.u32 v3, v0;
	v1 =	vmov s20;
	[sflag:s30] =	ssyncadd.s32 $0xFFFFE000  }
0xbd: {  	s20 =	simm.s32 $0x3;
	v2 =	vshrl.u32 v2, $0x3;
	v5 =	vshll.u32 v5, v0;
	v3 =	vadd.s32 $0x282, v3;
	_ =	swait.ge [sflag:s31], $0x200  }
0xbe: {  	v4 =	vmov s20;
	v2 =	vshll.u32 v2, v0;
	v1 =	vshrl.u32 v1, $0x3;
	[sflag:s31] =	ssyncset.done $0x0  }
0xbf: {  	v4 =	vshrl.u32 v4, $0x3;
	v2 =	vadd.s32 $0x280, v2;
	v1 =	vshll.u32 v1, v0;
	[sflag:s31] =	ssyncadd.s32 $0xFFFFFE00  }
0xc0: {  	s20 =	simm.s32 $0x5;
	v4 =	vshll.u32 v4, v0;
	v2 =	vbroadcast v2, $0x0;
	v1 =	vadd.s32 $0x281, v1;
	_ =	swait.ge [sflag:s1], $0x2000  }
0xc1: {  	s19 =	sadd.s32 s21, s12;
	v6 =	vmov s20;
	s20 =	simm.s32 $0x6;
	v1 =	vbroadcast v1, $0x0;
	v4 =	vadd.s32 $0x283, v4;
	[sflag:s1] =	ssyncset.done $0x0  }
0xc2: {  	s10 =	sshll.u32 s19, $0x6;
	v5 =	vadd.s32 $0x284, v5;
	v7 =	vmov s20;
	s20 =	simm.s32 $0x7;
	v4 =	vbroadcast v4, $0x0;
	[sflag:s1] =	ssyncadd.s32 $0xFFFFE000  }
0xc3: {  	v3 =	vbroadcast v3, $0x0;
	v5 =	vbroadcast v5, $0x0;
	[tilespmem:s23], [sflag:$0x1] =	stream.indirect.gather [spmem:s3], $0x40, s28, s22, $0xb8;
	[tilespmem:$0x18400] =	vst v63  }
0xc4: {  	s10 =	sadd.s32 s6, s10;
	v6 =	vshrl.u32 v6, $0x3;
	v7 =	vshrl.u32 v7, $0x3;
	v8 =	vmov s20  }
0xc5: {  	v6 =	vshll.u32 v6, v0;
	v7 =	vshll.u32 v7, v0;
	v8 =	vshrl.u32 v8, $0x3;
	[tilespmem:s2], [sflag:$0x8] =	stream.linear.gather [hbm4b:s10+s18], $0x200, $0x38;
	[tilespmem:$0x18400] =	vst v63  }
0xc6: {  	v6 =	vadd.s32 $0x285, v6;
	v7 =	vadd.s32 $0x286, v7;
	v8 =	vshll.u32 v8, v0;
	v9 =	vld.idx.msk [tilespmem:v2+s5+$0x0], $0xffff  }
0xc7: {  	v6 =	vbroadcast v6, $0x0;
	v2 =	vbroadcast v7, $0x0;
	v7 =	vadd.s32 $0x287, v8;
	v8 =	vld.idx.msk [tilespmem:v1+s5+$0x0], $0xffff  }
0xc8: {  	v4 =	vld.idx.msk [tilespmem:v4+s5+$0x0], $0xffff  }
0xc9: {  	s20 =	simm.s32 $0x29F0;
	v10 =	vld.idx.msk [tilespmem:v5+s5+$0x0], $0xffff;
	v1 =	vbroadcast v7, $0x0  }
0xca: {  	v5 =	vld [tilespmem:s20+$0x0]  }
0xcb: {  	v11 =	vld [tilespmem:s20+$0xFFFFFE20]  }
0xcc: {  	v7 =	vld.idx.msk [tilespmem:v3+s5+$0x0], $0xffff  }
0xcd: {  	v3 =	vld.idx.msk [tilespmem:v6+s5+$0x0], $0xffff  }
0xce: {  	v6 =	vld [tilespmem:s20+$0xFFFFFE10]  }
0xcf: {  	v1 =	vld.idx.msk [tilespmem:v1+s5+$0x0], $0xffff  }
0xd0: {  	v12 =	vld [tilespmem:s20+$0xFFFFFE30]  }
0xd1: {  	v13 =	vld [tilespmem:s20+$0xFFFFFE40]  }
0xd2: {  	v14 =	vld [tilespmem:s20+$0xFFFFFE50]  }
0xd3: {  	v15 =	vld [tilespmem:s20+$0xFFFFFE60];
	v6 =	vmul.f32 v9, v6  }
0xd4: {  	v16 =	vld [tilespmem:s20+$0xFFFFFE70];
	v5 =	vmul.f32 v1, v5  }
0xd5: {  	v11 =	vmul.f32 v9, v11;
	v2 =	vld.idx.msk [tilespmem:v2+s5+$0x0], $0xffff;
	[tilespmem:s20+$0xFFFFFE10] =	vst v6  }
0xd6: {  	v6 =	vld [tilespmem:s20+$0xFFFFFE80];
	[tilespmem:s20+$0x0] =	vst v5;
	v5 =	vmul.f32 v9, v12  }
0xd7: {  	[tilespmem:s20+$0xFFFFFE20] =	vst v11;
	v11 =	vld [tilespmem:s20+$0xFFFFFE90];
	v9 =	vmul.f32 v9, v13  }
0xd8: {  	v12 =	vld [tilespmem:s20+$0xFFFFFEA0];
	[tilespmem:s20+$0xFFFFFE30] =	vst v5;
	v5 =	vmul.f32 v8, v14  }
0xd9: {  	v13 =	vld [tilespmem:s20+$0xFFFFFEB0];
	[tilespmem:s20+$0xFFFFFE40] =	vst v9;
	v9 =	vmul.f32 v8, v15  }
0xda: {  	s18 =	simm.s32 $0x8;
	v14 =	vld [tilespmem:s20+$0xFFFFFEC0];
	[tilespmem:s20+$0xFFFFFE50] =	vst v5;
	v5 =	vmul.f32 v8, v16  }
0xdb: {  	s19 =	simm.s32 $0x9;
	v6 =	vmul.f32 v8, v6;
	v15 =	vmov s18;
	[tilespmem:s20+$0xFFFFFE60] =	vst v9;
	v8 =	vld [tilespmem:s20+$0xFFFFFED0]  }
0xdc: {  	s18 =	simm.s32 $0xA;
	v9 =	vshrl.u32 v15, $0x3;
	v15 =	vmov s19;
	s19 =	simm.s32 $0xB;
	[tilespmem:s20+$0xFFFFFE70] =	vst v5;
	v5 =	vmul.f32 v7, v11;
	v11 =	vld [tilespmem:s20+$0xFFFFFEE0]  }
0xdd: {  	[tilespmem:s20+$0xFFFFFE80] =	vst v6;
	v16 =	vmov s18;
	s18 =	simm.s32 $0xC;
	v17 =	vmov s19;
	v6 =	vmul.f32 v7, v12;
	v12 =	vld [tilespmem:s20+$0xFFFFFEF0]  }
0xde: {  	s19 =	simm.s32 $0xD;
	v18 =	vmov s18;
	v9 =	vshll.u32 v9, v0;
	[tilespmem:s20+$0xFFFFFE90] =	vst v5;
	v5 =	vmul.f32 v7, v13;
	v13 =	vld [tilespmem:s20+$0xFFFFFF00]  }
0xdf: {  	v19 =	vmov s19;
	s19 =	simm.s32 $0xE;
	v9 =	vadd.s32 $0x280, v9;
	[tilespmem:s20+$0xFFFFFEA0] =	vst v6;
	v6 =	vmul.f32 v7, v14;
	v7 =	vld [tilespmem:s20+$0xFFFFFF10]  }
0xe0: {  	v61 =	vmov s19;
	v14 =	vshrl.u32 v15, $0x3;
	[tilespmem:s20+$0xFFFFFEB0] =	vst v5;
	v5 =	vmul.f32 v4, v8;
	v8 =	vld [tilespmem:s20+$0xFFFFFF20]  }
0xe1: {  	v15 =	vshrl.u32 v16, $0x3;
	v16 =	vshrl.u32 v17, $0x3;
	[tilespmem:s20+$0xFFFFFEC0] =	vst v6;
	v6 =	vmul.f32 v4, v11;
	v11 =	vld [tilespmem:s20+$0xFFFFFF30]  }
0xe2: {  	v17 =	vshrl.u32 v18, $0x3;
	v18 =	vshrl.u32 v19, $0x3;
	[tilespmem:s20+$0xFFFFFED0] =	vst v5;
	v5 =	vmul.f32 v4, v12;
	v12 =	vld [tilespmem:s20+$0xFFFFFF40]  }
0xe3: {  	v19 =	vshrl.u32 v61, $0x3;
	v14 =	vshll.u32 v14, v0;
	[tilespmem:s20+$0xFFFFFEE0] =	vst v6;
	v4 =	vmul.f32 v4, v13;
	v13 =	vld [tilespmem:s20+$0xFFFFFF50]  }
0xe4: {  	v62 =	vld [tilespmem:s20+$0xFFFFFF60];
	v15 =	vshll.u32 v15, v0;
	v16 =	vshll.u32 v16, v0;
	v6 =	vmul.f32 v10, v7;
	[tilespmem:s20+$0xFFFFFEF0] =	vst v5  }
0xe5: {  	v7 =	vshll.u32 v17, v0;
	v17 =	vshll.u32 v18, v0;
	v18 =	vld [tilespmem:s20+$0xFFFFFF70];
	[tilespmem:s20+$0xFFFFFF00] =	vst v4;
	v4 =	vmul.f32 v10, v8  }
0xe6: {  	v19 =	vshll.u32 v19, v0;
	v16 =	vadd.s32 $0x283, v16;
	[tilespmem:s20+$0xFFFFFF10] =	vst v6;
	v6 =	vld [tilespmem:s20+$0xFFFFFF80];
	v8 =	vmul.f32 v10, v11  }
0xe7: {  	v5 =	vbroadcast v9, $0x0;
	v9 =	vadd.s32 $0x281, v14;
	[tilespmem:s20+$0xFFFFFF20] =	vst v4;
	v10 =	vmul.f32 v10, v12;
	v4 =	vld [tilespmem:s20+$0xFFFFFF90]  }
0xe8: {  	v14 =	vadd.s32 $0x286, v19;
	v12 =	vadd.s32 $0x284, v7;
	v7 =	vld [tilespmem:s20+$0xFFFFFFA0];
	[tilespmem:s20+$0xFFFFFF30] =	vst v8;
	v63 =	vmul.f32 v3, v13  }
0xe9: {  	v9 =	vbroadcast v9, $0x0;
	v11 =	vadd.s32 $0x282, v15;
	v15 =	vmul.f32 v3, v62;
	v8 =	vld [tilespmem:s20+$0xFFFFFFB0];
	[tilespmem:s20+$0xFFFFFF40] =	vst v10  }
0xea: {  	s10 =	simm.s32 $0x10;
	s19 =	simm.s32 $0xF;
	v11 =	vbroadcast v11, $0x0;
	v13 =	vadd.s32 $0x285, v17;
	v17 =	vmul.f32 v3, v18;
	v10 =	vld [tilespmem:s20+$0xFFFFFFC0];
	[tilespmem:s20+$0xFFFFFF50] =	vst v63  }
.LBB2_5:
0xeb: {  	p0 =	slt.u32 s10, $0x78;
	v16 =	vbroadcast v16, $0x0;
	v18 =	vmov s19;
	[tilespmem:s20+$0xFFFFFF60] =	vst v15;
	v3 =	vmul.f32 v3, v6;
	v6 =	vld [tilespmem:s20+$0xFFFFFFD0]  }
0xec: {  	v12 =	vbroadcast v12, $0x0;
	v15 =	vshrl.u32 v18, $0x3;
	[tilespmem:s20+$0xFFFFFF70] =	vst v17;
	v4 =	vmul.f32 v2, v4;
	v17 =	vld [tilespmem:s20+$0xFFFFFFE0]  }
0xed: {  	v13 =	vbroadcast v13, $0x0;
	v15 =	vshll.u32 v15, v0;
	[tilespmem:s20+$0xFFFFFF80] =	vst v3;
	v3 =	vmul.f32 v2, v7;
	v7 =	vld [tilespmem:s20+$0xFFFFFFF0]  }
0xee: {  	v14 =	vbroadcast v14, $0x0;
	v5 =	vld.idx.msk [tilespmem:v5+s5+$0x0], $0xffff;
	v15 =	vadd.s32 $0x287, v15;
	[tilespmem:s20+$0xFFFFFF90] =	vst v4;
	v4 =	vmul.f32 v2, v8  }
0xef: {  	v8 =	vld.idx.msk [tilespmem:v9+s5+$0x0], $0xffff;
	v9 =	vbroadcast v15, $0x0;
	[tilespmem:s20+$0xFFFFFFA0] =	vst v3;
	v2 =	vmul.f32 v2, v10  }
0xf0: {  	v10 =	vld.idx.msk [tilespmem:v11+s5+$0x0], $0xffff;
	[tilespmem:s20+$0xFFFFFFB0] =	vst v4;
	v3 =	vmul.f32 v1, v6  }
0xf1: {  	v6 =	vld.idx.msk [tilespmem:v16+s5+$0x0], $0xffff;
	[tilespmem:s20+$0xFFFFFFC0] =	vst v2;
	v2 =	vmul.f32 v1, v17  }
0xf2: {  	v4 =	vld.idx.msk [tilespmem:v12+s5+$0x0], $0xffff;
	[tilespmem:s20+$0xFFFFFFD0] =	vst v3;
	v1 =	vmul.f32 v1, v7  }
0xf3: {  	v3 =	vld.idx.msk [tilespmem:v13+s5+$0x0], $0xffff;
	[tilespmem:s20+$0xFFFFFFE0] =	vst v2  }
0xf4: {  	v2 =	vld.idx.msk [tilespmem:v14+s5+$0x0], $0xffff;
	[tilespmem:s20+$0xFFFFFFF0] =	vst v1  }
0xf5: {  	s20 =	sadd.s32 $0x200, s20;
	v1 =	vld.idx.msk [tilespmem:v9+s5+$0x0], $0xffff  }
0xf6: {  	v7 =	vld [tilespmem:s20+$0x0]  }
0xf7: {  	v9 =	vld [tilespmem:s20+$0xFFFFFE10]  }
0xf8: {  	v11 =	vld [tilespmem:s20+$0xFFFFFE20]  }
0xf9: {  	v12 =	vld [tilespmem:s20+$0xFFFFFE30]  }
0xfa: {  	v13 =	vld [tilespmem:s20+$0xFFFFFE40]  }
0xfb: {  	v14 =	vld [tilespmem:s20+$0xFFFFFE50];
	v7 =	vmul.f32 v1, v7  }
0xfc: {  	v9 =	vmul.f32 v5, v9;
	v15 =	vld [tilespmem:s20+$0xFFFFFE60]  }
0xfd: {  	v11 =	vmul.f32 v5, v11;
	v16 =	vld [tilespmem:s20+$0xFFFFFE70];
	[tilespmem:s20+$0x0] =	vst v7  }
0xfe: {  	[tilespmem:s20+$0xFFFFFE10] =	vst v9;
	v7 =	vmul.f32 v5, v12;
	v9 =	vld [tilespmem:s20+$0xFFFFFE80]  }
0xff: {  	[tilespmem:s20+$0xFFFFFE20] =	vst v11;
	v5 =	vmul.f32 v5, v13;
	v11 =	vld [tilespmem:s20+$0xFFFFFE90]  }
0x100: {  	[tilespmem:s20+$0xFFFFFE30] =	vst v7;
	v7 =	vmul.f32 v8, v14;
	v12 =	vld [tilespmem:s20+$0xFFFFFEA0]  }
0x101: {  	[tilespmem:s20+$0xFFFFFE40] =	vst v5;
	v5 =	vmul.f32 v8, v15;
	v13 =	vld [tilespmem:s20+$0xFFFFFEB0]  }
0x102: {  	[tilespmem:s20+$0xFFFFFE50] =	vst v7;
	v7 =	vmul.f32 v8, v16;
	v14 =	vld [tilespmem:s20+$0xFFFFFEC0]  }
0x103: {  	s18 =	sadd.s32 $0x1, s10;
	v15 =	vmov s10;
	[tilespmem:s20+$0xFFFFFE60] =	vst v5;
	v5 =	vmul.f32 v8, v9;
	v8 =	vld [tilespmem:s20+$0xFFFFFED0]  }
0x104: {  	s19 =	sadd.s32 $0x3, s10;
	v9 =	vshrl.u32 v15, $0x3;
	v15 =	vmov s18;
	s18 =	sadd.s32 $0x2, s10;
	[tilespmem:s20+$0xFFFFFE70] =	vst v7;
	v7 =	vmul.f32 v10, v11;
	v11 =	vld [tilespmem:s20+$0xFFFFFEE0]  }
0x105: {  	v17 =	vmov s19;
	s19 =	sadd.s32 $0x5, s10;
	v16 =	vmov s18;
	s18 =	sadd.s32 $0x4, s10;
	[tilespmem:s20+$0xFFFFFE80] =	vst v5;
	v5 =	vmul.f32 v10, v12;
	v12 =	vld [tilespmem:s20+$0xFFFFFEF0]  }
0x106: {  	v19 =	vmov s19;
	v18 =	vmov s18;
	s18 =	sadd.s32 $0x6, s10;
	[tilespmem:s20+$0xFFFFFE90] =	vst v7;
	v7 =	vmul.f32 v10, v13;
	v13 =	vld [tilespmem:s20+$0xFFFFFF00]  }
0x107: {  	v9 =	vshll.u32 v9, v0;
	v20 =	vmov s18;
	[tilespmem:s20+$0xFFFFFEA0] =	vst v5;
	v5 =	vmul.f32 v10, v14;
	v10 =	vld [tilespmem:s20+$0xFFFFFF10]  }
0x108: {  	v14 =	vshrl.u32 v15, $0x3;
	v15 =	vshrl.u32 v16, $0x3;
	[tilespmem:s20+$0xFFFFFEB0] =	vst v7;
	v7 =	vmul.f32 v6, v8;
	v8 =	vld [tilespmem:s20+$0xFFFFFF20]  }
0x109: {  	v16 =	vshrl.u32 v17, $0x3;
	v17 =	vshrl.u32 v18, $0x3;
	[tilespmem:s20+$0xFFFFFEC0] =	vst v5;
	v5 =	vmul.f32 v6, v11;
	v11 =	vld [tilespmem:s20+$0xFFFFFF30]  }
0x10a: {  	v18 =	vshrl.u32 v19, $0x3;
	v19 =	vshrl.u32 v20, $0x3;
	[tilespmem:s20+$0xFFFFFED0] =	vst v7;
	v7 =	vmul.f32 v6, v12;
	v12 =	vld [tilespmem:s20+$0xFFFFFF40]  }
0x10b: {  	v9 =	vadd.s32 $0x280, v9;
	v14 =	vshll.u32 v14, v0;
	[tilespmem:s20+$0xFFFFFEE0] =	vst v5;
	v5 =	vmul.f32 v6, v13;
	v13 =	vld [tilespmem:s20+$0xFFFFFF50]  }
0x10c: {  	v15 =	vshll.u32 v15, v0;
	v16 =	vshll.u32 v16, v0;
	[tilespmem:s20+$0xFFFFFEF0] =	vst v7;
	v6 =	vmul.f32 v4, v10;
	v10 =	vld [tilespmem:s20+$0xFFFFFF60]  }
0x10d: {  	v7 =	vshll.u32 v17, v0;
	v17 =	vshll.u32 v18, v0;
	[tilespmem:s20+$0xFFFFFF00] =	vst v5;
	v8 =	vmul.f32 v4, v8;
	v18 =	vld [tilespmem:s20+$0xFFFFFF70]  }
.Ltmp1:
0x10e: {  	v19 =	vshll.u32 v19, v0;
	v5 =	vbroadcast v9, $0x0;
	[tilespmem:s20+$0xFFFFFF10] =	vst v6;
	v9 =	vmul.f32 v4, v11;
	v6 =	vld [tilespmem:s20+$0xFFFFFF80];
	(pc) =	sbr.rel @p0 .LBB2_5-.Ltmp1, $4  }
0x10f: {  	v11 =	vadd.s32 $0x281, v14;
	v14 =	vadd.s32 $0x282, v15;
	[tilespmem:s20+$0xFFFFFF20] =	vst v8;
	v8 =	vmul.f32 v4, v12;
	v4 =	vld [tilespmem:s20+$0xFFFFFF90]  }
0x110: {  	v16 =	vadd.s32 $0x283, v16;
	v12 =	vadd.s32 $0x284, v7;
	[tilespmem:s20+$0xFFFFFF30] =	vst v9;
	v20 =	vmul.f32 v3, v13;
	v7 =	vld [tilespmem:s20+$0xFFFFFFA0]  }
0x111: {  	v9 =	vbroadcast v11, $0x0;
	v13 =	vadd.s32 $0x285, v17;
	[tilespmem:s20+$0xFFFFFF40] =	vst v8;
	v15 =	vmul.f32 v3, v10;
	v8 =	vld [tilespmem:s20+$0xFFFFFFB0]  }
0x112: {  	s19 =	sadd.s32 $0x7, s10;
	s10 =	sadd.s32 $0x8, s10;
	v11 =	vbroadcast v14, $0x0;
	v14 =	vadd.s32 $0x286, v19;
	[tilespmem:s20+$0xFFFFFF50] =	vst v20;
	v17 =	vmul.f32 v3, v18;
	v10 =	vld [tilespmem:s20+$0xFFFFFFC0]  }
0x113: {  	_ = 	snop  }
0x114: {  	v19 =	vld [tilespmem:s20+$0xFFFFFFD0]  }
0x115: {  	v20 =	vld [tilespmem:s20+$0xFFFFFFE0]  }
0x116: {  	v18 =	vmov s19;
	v21 =	vld [tilespmem:s20+$0xFFFFFFF0]  }
0x117: {  	v5 =	vld.idx.msk [tilespmem:v5+s5+$0x0], $0xffff;
	v18 =	vshrl.u32 v18, $0x3  }
0x118: {  	v16 =	vbroadcast v16, $0x0;
	v9 =	vld.idx.msk [tilespmem:v9+s5+$0x0], $0xffff;
	v3 =	vmul.f32 v3, v6;
	v18 =	vshll.u32 v18, v0  }
0x119: {  	v13 =	vbroadcast v13, $0x0;
	[tilespmem:s20+$0xFFFFFF60] =	vst v15;
	s10 =	sadd.s32 $0x200, s20;
	v11 =	vld.idx.msk [tilespmem:v11+s5+$0x0], $0xffff;
	v4 =	vmul.f32 v2, v4;
	v18 =	vadd.s32 $0x287, v18  }
0x11a: {  	v15 =	vld [tilespmem:s10+$0xFFFFFE70];
	[tilespmem:s20+$0xFFFFFF80] =	vst v3;
	v3 =	vmul.f32 v2, v7;
	v18 =	vbroadcast v18, $0x0  }
0x11b: {  	v14 =	vbroadcast v14, $0x0;
	[tilespmem:s20+$0xFFFFFF90] =	vst v4;
	v4 =	vmul.f32 v2, v8;
	v8 =	vld [tilespmem:s10+$0x0]  }
0x11c: {  	[tilespmem:s20+$0xFFFFFFA0] =	vst v3;
	v3 =	vld [tilespmem:s10+$0xFFFFFE10]  }
0x11d: {  	v2 =	vmul.f32 v2, v10;
	v10 =	vld [tilespmem:s10+$0xFFFFFE20]  }
0x11e: {  	v16 =	vld.idx.msk [tilespmem:v16+s5+$0x0], $0xffff  }
0x11f: {  	v6 =	vld.idx.msk [tilespmem:v13+s5+$0x0], $0xffff  }
0x120: {  	v12 =	vbroadcast v12, $0x0;
	[tilespmem:s20+$0xFFFFFFB0] =	vst v4;
	v4 =	vmul.f32 v1, v19;
	v7 =	vld.idx.msk [tilespmem:v18+s5+$0x0], $0xffff  }
0x121: {  	v13 =	vld.idx.msk [tilespmem:v14+s5+$0x0], $0xffff;
	[tilespmem:s20+$0xFFFFFFC0] =	vst v2;
	v2 =	vmul.f32 v1, v20  }
0x122: {  	v14 =	vld [tilespmem:s10+$0xFFFFFE30];
	v1 =	vmul.f32 v1, v21;
	[tilespmem:s20+$0xFFFFFFD0] =	vst v4  }
0x123: {  	v4 =	vld [tilespmem:s10+$0xFFFFFE40];
	[tilespmem:s20+$0xFFFFFFE0] =	vst v2  }
0x124: {  	v2 =	vld [tilespmem:s10+$0xFFFFFE50];
	[tilespmem:s20+$0xFFFFFFF0] =	vst v1;
	v1 =	vmul.f32 v5, v3  }
0x125: {  	[tilespmem:s20+$0xFFFFFF70] =	vst v17;
	v3 =	vld [tilespmem:s10+$0xFFFFFE60];
	v8 =	vmul.f32 v7, v8  }
0x126: {  	v12 =	vld.idx.msk [tilespmem:v12+s5+$0x0], $0xffff;
	v10 =	vmul.f32 v5, v10;
	[tilespmem:s10+$0xFFFFFE10] =	vst v1  }
0x127: {  	v1 =	vmul.f32 v5, v14;
	[tilespmem:s10+$0x0] =	vst v8;
	v8 =	vld [tilespmem:s10+$0xFFFFFE80]  }
0x128: {  	[tilespmem:s10+$0xFFFFFE20] =	vst v10;
	v4 =	vmul.f32 v5, v4;
	v5 =	vld [tilespmem:s10+$0xFFFFFE90]  }
0x129: {  	[tilespmem:s10+$0xFFFFFE30] =	vst v1;
	v1 =	vmul.f32 v9, v2;
	v2 =	vld [tilespmem:s10+$0xFFFFFEA0]  }
0x12a: {  	[tilespmem:s10+$0xFFFFFE40] =	vst v4;
	v3 =	vmul.f32 v9, v3;
	v4 =	vld [tilespmem:s10+$0xFFFFFEB0]  }
0x12b: {  	v10 =	vld [tilespmem:s10+$0xFFFFFEC0];
	[tilespmem:s10+$0xFFFFFE50] =	vst v1;
	v1 =	vmul.f32 v9, v15  }
0x12c: {  	[tilespmem:s10+$0xFFFFFE60] =	vst v3;
	v3 =	vmul.f32 v9, v8;
	v8 =	vld [tilespmem:s10+$0xFFFFFED0]  }
0x12d: {  	[tilespmem:s10+$0xFFFFFE70] =	vst v1;
	v1 =	vmul.f32 v11, v5;
	v5 =	vld [tilespmem:s10+$0xFFFFFEE0]  }
0x12e: {  	v2 =	vmul.f32 v11, v2;
	[tilespmem:s10+$0xFFFFFE80] =	vst v3;
	v3 =	vld [tilespmem:s10+$0xFFFFFEF0]  }
0x12f: {  	[tilespmem:s10+$0xFFFFFE90] =	vst v1;
	v1 =	vmul.f32 v11, v4;
	v4 =	vld [tilespmem:s10+$0xFFFFFF00]  }
0x130: {  	[tilespmem:s10+$0xFFFFFEA0] =	vst v2;
	v2 =	vmul.f32 v11, v10;
	v9 =	vld [tilespmem:s10+$0xFFFFFF10]  }
0x131: {  	[tilespmem:s10+$0xFFFFFEB0] =	vst v1;
	v1 =	vmul.f32 v16, v8;
	v8 =	vld [tilespmem:s10+$0xFFFFFF20]  }
0x132: {  	[tilespmem:s10+$0xFFFFFEC0] =	vst v2;
	v2 =	vmul.f32 v16, v5;
	v5 =	vld [tilespmem:s10+$0xFFFFFF30]  }
0x133: {  	[tilespmem:s10+$0xFFFFFED0] =	vst v1;
	v1 =	vmul.f32 v16, v3;
	v3 =	vld [tilespmem:s10+$0xFFFFFF40]  }
0x134: {  	[tilespmem:s10+$0xFFFFFEE0] =	vst v2;
	v2 =	vmul.f32 v16, v4;
	v4 =	vld [tilespmem:s10+$0xFFFFFF50]  }
0x135: {  	[tilespmem:s10+$0xFFFFFEF0] =	vst v1;
	v1 =	vmul.f32 v12, v9;
	v9 =	vld [tilespmem:s10+$0xFFFFFF60]  }
0x136: {  	[tilespmem:s10+$0xFFFFFF00] =	vst v2;
	v2 =	vmul.f32 v12, v8;
	v8 =	vld [tilespmem:s10+$0xFFFFFF70]  }
0x137: {  	[tilespmem:s10+$0xFFFFFF10] =	vst v1;
	v1 =	vmul.f32 v12, v5;
	v5 =	vld [tilespmem:s10+$0xFFFFFF80]  }
0x138: {  	[tilespmem:s10+$0xFFFFFF20] =	vst v2;
	v2 =	vmul.f32 v12, v3;
	v3 =	vld [tilespmem:s10+$0xFFFFFF90]  }
0x139: {  	[tilespmem:s10+$0xFFFFFF30] =	vst v1;
	v1 =	vmul.f32 v6, v4;
	v4 =	vld [tilespmem:s10+$0xFFFFFFA0]  }
0x13a: {  	[tilespmem:s10+$0xFFFFFF40] =	vst v2;
	v2 =	vmul.f32 v6, v9;
	v9 =	vld [tilespmem:s10+$0xFFFFFFB0]  }
0x13b: {  	[tilespmem:s10+$0xFFFFFF50] =	vst v1;
	v1 =	vmul.f32 v6, v8;
	v8 =	vld [tilespmem:s10+$0xFFFFFFC0]  }
0x13c: {  	[tilespmem:s10+$0xFFFFFF60] =	vst v2;
	v2 =	vmul.f32 v6, v5;
	v5 =	vld [tilespmem:s10+$0xFFFFFFD0]  }
0x13d: {  	[tilespmem:s10+$0xFFFFFF70] =	vst v1;
	v1 =	vmul.f32 v13, v3;
	v3 =	vld [tilespmem:s10+$0xFFFFFFE0]  }
0x13e: {  	[tilespmem:s10+$0xFFFFFF80] =	vst v2;
	v2 =	vmul.f32 v13, v4;
	v4 =	vld [tilespmem:s10+$0xFFFFFFF0]  }
0x13f: {  	[tilespmem:s10+$0xFFFFFF90] =	vst v1;
	v1 =	vmul.f32 v13, v9  }
0x140: {  	[tilespmem:s10+$0xFFFFFFA0] =	vst v2;
	v2 =	vmul.f32 v13, v8  }
0x141: {  	[tilespmem:s10+$0xFFFFFFB0] =	vst v1;
	v1 =	vmul.f32 v7, v5  }
0x142: {  	[tilespmem:s10+$0xFFFFFFC0] =	vst v2;
	v2 =	vmul.f32 v7, v3  }
0x143: {  	[tilespmem:s10+$0xFFFFFFD0] =	vst v1;
	v1 =	vmul.f32 v7, v4  }
0x144: {  	[tilespmem:s10+$0xFFFFFFE0] =	vst v2  }
0x145: {  	s18 =	simm.s32 $0x2;
	[tilespmem:s10+$0xFFFFFFF0] =	vst v1  }
0x146: {  	v3 =	vmov s18;
	[spmem:s4] =	stream.indirect.scatter.add.f32 [tilespmem:s26], [sflag:$0x4], $0x40, s0, s22, $0xb8;
	[tilespmem:$0x18400] =	vst v63  }
0x147: {  	s19 =	simm.s32 $0x0;
	s20 =	simm.s32 $0x1;
	v3 =	vshrl.u32 v3, $0x3;
	_ =	swait.ge [sflag:s24], $0x2000  }
0x148: {  	v2 =	vmov s20;
	s20 =	simm.s32 $0x5;
	v3 =	vshll.u32 v3, v0;
	v1 =	vmov s19;
	[sflag:s24] =	ssyncset.done $0x0  }
0x149: {  	s10 =	simm.s32 $0x3;
	s19 =	simm.s32 $0x4;
	v6 =	vmov s20;
	v2 =	vshrl.u32 v2, $0x3;
	v3 =	vadd.s32 $0x482, v3;
	[sflag:s24] =	ssyncadd.s32 $0xFFFFE000  }
0x14a: {  	v1 =	vshrl.u32 v1, $0x3;
	v4 =	vmov s10;
	v5 =	vmov s19;
	_ =	swait.ge [sflag:s8], $0x200  }
0x14b: {  	s20 =	simm.s32 $0x7;
	v6 =	vshrl.u32 v6, $0x3;
	v2 =	vshll.u32 v2, v0;
	v1 =	vshll.u32 v1, v0;
	[sflag:s8] =	ssyncset.done $0x0  }
0x14c: {  	v3 =	vbroadcast v3, $0x0;
	v8 =	vmov s20;
	v1 =	vadd.s32 $0x480, v1;
	[sflag:s8] =	ssyncadd.s32 $0xFFFFFE00  }
0x14d: {  	p0 =	seq.s32 s7, $0x27;
	v4 =	vshrl.u32 v4, $0x3;
	v2 =	vadd.s32 $0x481, v2;
	v1 =	vbroadcast v1, $0x0;
	_ =	swait.ge [sflag:s9], $0x2000  }
0x14e: {  	s19 =	simm.s32 $0x6;
	s10 =	sadd.s32 @!p0 s21, s13;
	v5 =	vshrl.u32 v5, $0x3;
	v4 =	vshll.u32 v4, v0;
	v2 =	vbroadcast v2, $0x0;
	[sflag:s9] =	ssyncset.done $0x0  }
0x14f: {  	v7 =	vmov s19;
	s10 =	sshll.u32 @!p0 s10, $0x6;
	v5 =	vshll.u32 v5, v0;
	v4 =	vadd.s32 $0x483, v4;
	[sflag:s9] =	ssyncadd.s32 $0xFFFFE000  }
0x150: {  	v6 =	vshll.u32 v6, v0;
	v5 =	vadd.s32 $0x484, v5;
	v4 =	vbroadcast v4, $0x0;
	[tilespmem:s26], [sflag:$0x2] =	stream.indirect.gather [spmem:s3], $0x40, s2, s22, $0xb8;
	[tilespmem:$0x18400] =	vst v63  }
0x151: {  	s18 =	simm.s32 @!p0 $0x0;
	v7 =	vshrl.u32 v7, $0x3;
	s10 =	sadd.s32 @!p0 s6, s10;
	v6 =	vadd.s32 $0x485, v6;
	v5 =	vbroadcast v5, $0x0  }
0x152: {  	v8 =	vshrl.u32 v8, $0x3;
	v7 =	vshll.u32 v7, v0;
	v6 =	vbroadcast v6, $0x0;
	[tilespmem:s18], [sflag:$0x5] =	stream.linear.gather @!p0 [hbm4b:s10+s18], $0x200, $0x38;
	[tilespmem:$0x18400] =	vst v63  }
0x153: {  	v8 =	vshll.u32 v8, v0;
	v7 =	vadd.s32 $0x486, v7;
	v9 =	vld.idx.msk [tilespmem:v1+s5+$0x0], $0xffff  }
0x154: {  	v1 =	vbroadcast v7, $0x0;
	v7 =	vadd.s32 $0x487, v8;
	v8 =	vld.idx.msk [tilespmem:v2+s5+$0x0], $0xffff  }
0x155: {  	v10 =	vld.idx.msk [tilespmem:v3+s5+$0x0], $0xffff  }
0x156: {  	v4 =	vld.idx.msk [tilespmem:v4+s5+$0x0], $0xffff;
	v7 =	vbroadcast v7, $0x0  }
0x157: {  	v11 =	vld.idx.msk [tilespmem:v5+s5+$0x0], $0xffff  }
0x158: {  	s20 =	simm.s32 $0x900;
	v3 =	vld.idx.msk [tilespmem:v6+s5+$0x0], $0xffff  }
0x159: {  	v5 =	vld [tilespmem:s20+$0xF0]  }
0x15a: {  	v6 =	vld [tilespmem:s20+$0xFFFFFF00]  }
0x15b: {  	v2 =	vld.idx.msk [tilespmem:v1+s5+$0x0], $0xffff  }
0x15c: {  	v1 =	vld.idx.msk [tilespmem:v7+s5+$0x0], $0xffff  }
0x15d: {  	v7 =	vld [tilespmem:s20+$0xFFFFFF10]  }
0x15e: {  	v12 =	vld [tilespmem:s20+$0xFFFFFF20]  }
0x15f: {  	v13 =	vld [tilespmem:s20+$0xFFFFFF30]  }
0x160: {  	v14 =	vld [tilespmem:s20+$0xFFFFFF40];
	v6 =	vmul.f32 v9, v6  }
0x161: {  	v15 =	vld [tilespmem:s20+$0xFFFFFF50];
	v5 =	vmul.f32 v1, v5  }
0x162: {  	v16 =	vld [tilespmem:s20+$0xFFFFFF60];
	[tilespmem:s20+$0xFFFFFF00] =	vst v6;
	v7 =	vmul.f32 v9, v7  }
0x163: {  	v6 =	vld [tilespmem:s20+$0xFFFFFF70];
	[tilespmem:s20+$0xF0] =	vst v5;
	v5 =	vmul.f32 v9, v12  }
0x164: {  	[tilespmem:s20+$0xFFFFFF10] =	vst v7;
	v7 =	vmul.f32 v9, v13;
	v9 =	vld [tilespmem:s20+$0xFFFFFF80]  }
0x165: {  	v12 =	vld [tilespmem:s20+$0xFFFFFF90];
	[tilespmem:s20+$0xFFFFFF20] =	vst v5;
	v5 =	vmul.f32 v8, v14  }
0x166: {  	v13 =	vld [tilespmem:s20+$0xFFFFFFA0];
	[tilespmem:s20+$0xFFFFFF30] =	vst v7;
	v7 =	vmul.f32 v8, v15  }
0x167: {  	s18 =	simm.s32 $0x8;
	v14 =	vld [tilespmem:s20+$0xFFFFFFB0];
	[tilespmem:s20+$0xFFFFFF40] =	vst v5;
	v5 =	vmul.f32 v8, v16  }
0x168: {  	s19 =	simm.s32 $0x9;
	v6 =	vmul.f32 v8, v6;
	v15 =	vmov s18;
	[tilespmem:s20+$0xFFFFFF50] =	vst v7;
	v7 =	vld [tilespmem:s20+$0xFFFFFFC0]  }
0x169: {  	s18 =	simm.s32 $0xA;
	v8 =	vshrl.u32 v15, $0x3;
	v15 =	vmov s19;
	s19 =	simm.s32 $0xB;
	[tilespmem:s20+$0xFFFFFF60] =	vst v5;
	v5 =	vmul.f32 v10, v9;
	v9 =	vld [tilespmem:s20+$0xFFFFFFD0]  }
0x16a: {  	[tilespmem:s20+$0xFFFFFF70] =	vst v6;
	v16 =	vmov s18;
	s18 =	simm.s32 $0xC;
	v17 =	vmov s19;
	v6 =	vmul.f32 v10, v12;
	v12 =	vld [tilespmem:s20+$0xFFFFFFE0]  }
0x16b: {  	s19 =	simm.s32 $0xD;
	v18 =	vmov s18;
	v8 =	vshll.u32 v8, v0;
	[tilespmem:s20+$0xFFFFFF80] =	vst v5;
	v5 =	vmul.f32 v10, v13;
	v13 =	vld [tilespmem:s20+$0xFFFFFFF0]  }
0x16c: {  	v19 =	vmov s19;
	s19 =	simm.s32 $0xE;
	v8 =	vadd.s32 $0x480, v8;
	[tilespmem:s20+$0xFFFFFF90] =	vst v6;
	v6 =	vmul.f32 v10, v14;
	v10 =	vld [tilespmem:s20+$0x0]  }
0x16d: {  	v62 =	vmov s19;
	v14 =	vshrl.u32 v15, $0x3;
	[tilespmem:s20+$0xFFFFFFA0] =	vst v5;
	v5 =	vmul.f32 v4, v7;
	v7 =	vld [tilespmem:s20+$0x10]  }
0x16e: {  	v15 =	vshrl.u32 v16, $0x3;
	v16 =	vshrl.u32 v17, $0x3;
	[tilespmem:s20+$0xFFFFFFB0] =	vst v6;
	v6 =	vmul.f32 v4, v9;
	v9 =	vld [tilespmem:s20+$0x20]  }
0x16f: {  	v17 =	vshrl.u32 v18, $0x3;
	v18 =	vshrl.u32 v19, $0x3;
	[tilespmem:s20+$0xFFFFFFC0] =	vst v5;
	v5 =	vmul.f32 v4, v12;
	v12 =	vld [tilespmem:s20+$0x30]  }
0x170: {  	v19 =	vshrl.u32 v62, $0x3;
	v14 =	vshll.u32 v14, v0;
	[tilespmem:s20+$0xFFFFFFD0] =	vst v6;
	v4 =	vmul.f32 v4, v13;
	v13 =	vld [tilespmem:s20+$0x40]  }
0x171: {  	v15 =	vshll.u32 v15, v0;
	v16 =	vshll.u32 v16, v0;
	v6 =	vmul.f32 v11, v10;
	v10 =	vld [tilespmem:s20+$0x50];
	[tilespmem:s20+$0xFFFFFFE0] =	vst v5  }
0x172: {  	v63 =	vld [tilespmem:s20+$0x60];
	v17 =	vshll.u32 v17, v0;
	v18 =	vshll.u32 v18, v0;
	[tilespmem:s20+$0xFFFFFFF0] =	vst v4;
	v4 =	vmul.f32 v11, v7  }
0x173: {  	v19 =	vshll.u32 v19, v0;
	v16 =	vadd.s32 $0x483, v16;
	[tilespmem:s20+$0x0] =	vst v6;
	v6 =	vld [tilespmem:s20+$0x70];
	v7 =	vmul.f32 v11, v9  }
0x174: {  	v5 =	vbroadcast v8, $0x0;
	v8 =	vadd.s32 $0x481, v14;
	[tilespmem:s20+$0x10] =	vst v4;
	v11 =	vmul.f32 v11, v12;
	v4 =	vld [tilespmem:s20+$0x80]  }
0x175: {  	v14 =	vadd.s32 $0x482, v15;
	v12 =	vadd.s32 $0x484, v17;
	[tilespmem:s20+$0x20] =	vst v7;
	v17 =	vmul.f32 v3, v13;
	v7 =	vld [tilespmem:s20+$0x90]  }
0x176: {  	v9 =	vbroadcast v8, $0x0;
	v8 =	vld [tilespmem:s20+$0xA0];
	v13 =	vadd.s32 $0x485, v18;
	v15 =	vmul.f32 v3, v10;
	[tilespmem:s20+$0x30] =	vst v11  }
0x177: {  	s10 =	simm.s32 $0x10;
	s19 =	simm.s32 $0xF;
	v10 =	vld [tilespmem:s20+$0xB0];
	v11 =	vbroadcast v14, $0x0;
	v14 =	vadd.s32 $0x486, v19;
	[tilespmem:s20+$0x40] =	vst v17;
	v17 =	vmul.f32 v3, v63  }
.LBB2_7:
0x178: {  	p1 =	slt.u32 s10, $0x78;
	v16 =	vbroadcast v16, $0x0;
	v18 =	vmov s19;
	[tilespmem:s20+$0x50] =	vst v15;
	v3 =	vmul.f32 v3, v6;
	v6 =	vld [tilespmem:s20+$0xC0]  }
0x179: {  	v12 =	vbroadcast v12, $0x0;
	v15 =	vshrl.u32 v18, $0x3;
	[tilespmem:s20+$0x60] =	vst v17;
	v4 =	vmul.f32 v2, v4;
	v17 =	vld [tilespmem:s20+$0xD0]  }
0x17a: {  	v13 =	vbroadcast v13, $0x0;
	v15 =	vshll.u32 v15, v0;
	[tilespmem:s20+$0x70] =	vst v3;
	v3 =	vmul.f32 v2, v7;
	v7 =	vld [tilespmem:s20+$0xE0]  }
0x17b: {  	v14 =	vbroadcast v14, $0x0;
	v5 =	vld.idx.msk [tilespmem:v5+s5+$0x0], $0xffff;
	v15 =	vadd.s32 $0x487, v15;
	[tilespmem:s20+$0x80] =	vst v4;
	v4 =	vmul.f32 v2, v8  }
0x17c: {  	v8 =	vld.idx.msk [tilespmem:v9+s5+$0x0], $0xffff;
	v9 =	vbroadcast v15, $0x0;
	[tilespmem:s20+$0x90] =	vst v3;
	v2 =	vmul.f32 v2, v10  }
0x17d: {  	v10 =	vld.idx.msk [tilespmem:v11+s5+$0x0], $0xffff;
	[tilespmem:s20+$0xA0] =	vst v4;
	v3 =	vmul.f32 v1, v6  }
0x17e: {  	v6 =	vld.idx.msk [tilespmem:v16+s5+$0x0], $0xffff;
	[tilespmem:s20+$0xB0] =	vst v2;
	v2 =	vmul.f32 v1, v17  }
0x17f: {  	v4 =	vld.idx.msk [tilespmem:v12+s5+$0x0], $0xffff;
	[tilespmem:s20+$0xC0] =	vst v3;
	v1 =	vmul.f32 v1, v7  }
0x180: {  	v3 =	vld.idx.msk [tilespmem:v13+s5+$0x0], $0xffff;
	[tilespmem:s20+$0xD0] =	vst v2  }
0x181: {  	v2 =	vld.idx.msk [tilespmem:v14+s5+$0x0], $0xffff;
	[tilespmem:s20+$0xE0] =	vst v1  }
0x182: {  	s20 =	sadd.s32 $0x200, s20;
	v1 =	vld.idx.msk [tilespmem:v9+s5+$0x0], $0xffff  }
0x183: {  	v7 =	vld [tilespmem:s20+$0xF0]  }
0x184: {  	v9 =	vld [tilespmem:s20+$0xFFFFFF00]  }
0x185: {  	v11 =	vld [tilespmem:s20+$0xFFFFFF10]  }
0x186: {  	v12 =	vld [tilespmem:s20+$0xFFFFFF20]  }
0x187: {  	v13 =	vld [tilespmem:s20+$0xFFFFFF30]  }
0x188: {  	v14 =	vld [tilespmem:s20+$0xFFFFFF40];
	v7 =	vmul.f32 v1, v7  }
0x189: {  	v9 =	vmul.f32 v5, v9;
	v15 =	vld [tilespmem:s20+$0xFFFFFF50]  }
0x18a: {  	v11 =	vmul.f32 v5, v11;
	v16 =	vld [tilespmem:s20+$0xFFFFFF60];
	[tilespmem:s20+$0xF0] =	vst v7  }
0x18b: {  	[tilespmem:s20+$0xFFFFFF00] =	vst v9;
	v7 =	vmul.f32 v5, v12;
	v9 =	vld [tilespmem:s20+$0xFFFFFF70]  }
0x18c: {  	[tilespmem:s20+$0xFFFFFF10] =	vst v11;
	v5 =	vmul.f32 v5, v13;
	v11 =	vld [tilespmem:s20+$0xFFFFFF80]  }
0x18d: {  	[tilespmem:s20+$0xFFFFFF20] =	vst v7;
	v7 =	vmul.f32 v8, v14;
	v12 =	vld [tilespmem:s20+$0xFFFFFF90]  }
0x18e: {  	[tilespmem:s20+$0xFFFFFF30] =	vst v5;
	v5 =	vmul.f32 v8, v15;
	v13 =	vld [tilespmem:s20+$0xFFFFFFA0]  }
0x18f: {  	[tilespmem:s20+$0xFFFFFF40] =	vst v7;
	v7 =	vmul.f32 v8, v16;
	v14 =	vld [tilespmem:s20+$0xFFFFFFB0]  }
0x190: {  	s18 =	sadd.s32 $0x1, s10;
	v15 =	vmov s10;
	[tilespmem:s20+$0xFFFFFF50] =	vst v5;
	v5 =	vmul.f32 v8, v9;
	v8 =	vld [tilespmem:s20+$0xFFFFFFC0]  }
0x191: {  	s19 =	sadd.s32 $0x3, s10;
	v9 =	vshrl.u32 v15, $0x3;
	v15 =	vmov s18;
	s18 =	sadd.s32 $0x2, s10;
	[tilespmem:s20+$0xFFFFFF60] =	vst v7;
	v7 =	vmul.f32 v10, v11;
	v11 =	vld [tilespmem:s20+$0xFFFFFFD0]  }
0x192: {  	v17 =	vmov s19;
	s19 =	sadd.s32 $0x5, s10;
	v16 =	vmov s18;
	s18 =	sadd.s32 $0x4, s10;
	[tilespmem:s20+$0xFFFFFF70] =	vst v5;
	v5 =	vmul.f32 v10, v12;
	v12 =	vld [tilespmem:s20+$0xFFFFFFE0]  }
0x193: {  	v19 =	vmov s19;
	v18 =	vmov s18;
	s18 =	sadd.s32 $0x6, s10;
	[tilespmem:s20+$0xFFFFFF80] =	vst v7;
	v7 =	vmul.f32 v10, v13;
	v13 =	vld [tilespmem:s20+$0xFFFFFFF0]  }
0x194: {  	v9 =	vshll.u32 v9, v0;
	v20 =	vmov s18;
	[tilespmem:s20+$0xFFFFFF90] =	vst v5;
	v5 =	vmul.f32 v10, v14;
	v10 =	vld [tilespmem:s20+$0x0]  }
0x195: {  	v14 =	vshrl.u32 v15, $0x3;
	v15 =	vshrl.u32 v16, $0x3;
	[tilespmem:s20+$0xFFFFFFA0] =	vst v7;
	v7 =	vmul.f32 v6, v8;
	v8 =	vld [tilespmem:s20+$0x10]  }
0x196: {  	v16 =	vshrl.u32 v17, $0x3;
	v17 =	vshrl.u32 v18, $0x3;
	[tilespmem:s20+$0xFFFFFFB0] =	vst v5;
	v5 =	vmul.f32 v6, v11;
	v11 =	vld [tilespmem:s20+$0x20]  }
0x197: {  	v18 =	vshrl.u32 v19, $0x3;
	v19 =	vshrl.u32 v20, $0x3;
	[tilespmem:s20+$0xFFFFFFC0] =	vst v7;
	v7 =	vmul.f32 v6, v12;
	v12 =	vld [tilespmem:s20+$0x30]  }
0x198: {  	v9 =	vadd.s32 $0x480, v9;
	v14 =	vshll.u32 v14, v0;
	[tilespmem:s20+$0xFFFFFFD0] =	vst v5;
	v5 =	vmul.f32 v6, v13;
	v13 =	vld [tilespmem:s20+$0x40]  }
0x199: {  	v15 =	vshll.u32 v15, v0;
	v16 =	vshll.u32 v16, v0;
	[tilespmem:s20+$0xFFFFFFE0] =	vst v7;
	v6 =	vmul.f32 v4, v10;
	v10 =	vld [tilespmem:s20+$0x50]  }
0x19a: {  	v7 =	vshll.u32 v17, v0;
	v17 =	vshll.u32 v18, v0;
	[tilespmem:s20+$0xFFFFFFF0] =	vst v5;
	v8 =	vmul.f32 v4, v8;
	v18 =	vld [tilespmem:s20+$0x60]  }
.Ltmp2:
0x19b: {  	v19 =	vshll.u32 v19, v0;
	v5 =	vbroadcast v9, $0x0;
	[tilespmem:s20+$0x0] =	vst v6;
	v9 =	vmul.f32 v4, v11;
	v6 =	vld [tilespmem:s20+$0x70];
	(pc) =	sbr.rel @p1 .LBB2_7-.Ltmp2, $4  }
0x19c: {  	v11 =	vadd.s32 $0x481, v14;
	v14 =	vadd.s32 $0x482, v15;
	[tilespmem:s20+$0x10] =	vst v8;
	v8 =	vmul.f32 v4, v12;
	v4 =	vld [tilespmem:s20+$0x80]  }
0x19d: {  	v16 =	vadd.s32 $0x483, v16;
	v12 =	vadd.s32 $0x484, v7;
	[tilespmem:s20+$0x20] =	vst v9;
	v20 =	vmul.f32 v3, v13;
	v7 =	vld [tilespmem:s20+$0x90]  }
0x19e: {  	v9 =	vbroadcast v11, $0x0;
	v13 =	vadd.s32 $0x485, v17;
	[tilespmem:s20+$0x30] =	vst v8;
	v15 =	vmul.f32 v3, v10;
	v8 =	vld [tilespmem:s20+$0xA0]  }
0x19f: {  	s19 =	sadd.s32 $0x7, s10;
	s10 =	sadd.s32 $0x8, s10;
	v11 =	vbroadcast v14, $0x0;
	v14 =	vadd.s32 $0x486, v19;
	[tilespmem:s20+$0x40] =	vst v20;
	v17 =	vmul.f32 v3, v18;
	v10 =	vld [tilespmem:s20+$0xB0]  }
0x1a0: {  	_ = 	snop  }
0x1a1: {  	v19 =	vld [tilespmem:s20+$0xC0]  }
0x1a2: {  	v20 =	vld [tilespmem:s20+$0xD0]  }
0x1a3: {  	v18 =	vmov s19;
	v21 =	vld [tilespmem:s20+$0xE0]  }
0x1a4: {  	v5 =	vld.idx.msk [tilespmem:v5+s5+$0x0], $0xffff;
	v18 =	vshrl.u32 v18, $0x3  }
0x1a5: {  	v16 =	vbroadcast v16, $0x0;
	v9 =	vld.idx.msk [tilespmem:v9+s5+$0x0], $0xffff;
	v3 =	vmul.f32 v3, v6;
	v18 =	vshll.u32 v18, v0  }
0x1a6: {  	v13 =	vbroadcast v13, $0x0;
	[tilespmem:s20+$0x50] =	vst v15;
	s10 =	sadd.s32 $0x200, s20;
	v11 =	vld.idx.msk [tilespmem:v11+s5+$0x0], $0xffff;
	v4 =	vmul.f32 v2, v4;
	v18 =	vadd.s32 $0x487, v18  }
0x1a7: {  	v15 =	vld [tilespmem:s10+$0xFFFFFF60];
	[tilespmem:s20+$0x70] =	vst v3;
	v3 =	vmul.f32 v2, v7;
	v18 =	vbroadcast v18, $0x0  }
0x1a8: {  	v14 =	vbroadcast v14, $0x0;
	[tilespmem:s20+$0x80] =	vst v4;
	v4 =	vmul.f32 v2, v8;
	v8 =	vld [tilespmem:s10+$0xF0]  }
0x1a9: {  	[tilespmem:s20+$0x90] =	vst v3;
	v3 =	vld [tilespmem:s10+$0xFFFFFF00]  }
0x1aa: {  	v2 =	vmul.f32 v2, v10;
	v10 =	vld [tilespmem:s10+$0xFFFFFF10]  }
0x1ab: {  	v16 =	vld.idx.msk [tilespmem:v16+s5+$0x0], $0xffff  }
0x1ac: {  	v6 =	vld.idx.msk [tilespmem:v13+s5+$0x0], $0xffff  }
0x1ad: {  	v12 =	vbroadcast v12, $0x0;
	[tilespmem:s20+$0xA0] =	vst v4;
	v4 =	vmul.f32 v1, v19;
	v7 =	vld.idx.msk [tilespmem:v18+s5+$0x0], $0xffff  }
0x1ae: {  	v13 =	vld.idx.msk [tilespmem:v14+s5+$0x0], $0xffff;
	[tilespmem:s20+$0xB0] =	vst v2;
	v2 =	vmul.f32 v1, v20  }
0x1af: {  	v14 =	vld [tilespmem:s10+$0xFFFFFF20];
	v1 =	vmul.f32 v1, v21;
	[tilespmem:s20+$0xC0] =	vst v4  }
0x1b0: {  	v4 =	vld [tilespmem:s10+$0xFFFFFF30];
	[tilespmem:s20+$0xD0] =	vst v2  }
0x1b1: {  	v2 =	vld [tilespmem:s10+$0xFFFFFF40];
	[tilespmem:s20+$0xE0] =	vst v1;
	v1 =	vmul.f32 v5, v3  }
0x1b2: {  	[tilespmem:s20+$0x60] =	vst v17;
	v3 =	vld [tilespmem:s10+$0xFFFFFF50];
	v8 =	vmul.f32 v7, v8  }
0x1b3: {  	v12 =	vld.idx.msk [tilespmem:v12+s5+$0x0], $0xffff;
	v10 =	vmul.f32 v5, v10;
	[tilespmem:s10+$0xFFFFFF00] =	vst v1  }
0x1b4: {  	v1 =	vmul.f32 v5, v14;
	[tilespmem:s10+$0xF0] =	vst v8;
	v8 =	vld [tilespmem:s10+$0xFFFFFF70]  }
0x1b5: {  	[tilespmem:s10+$0xFFFFFF10] =	vst v10;
	v4 =	vmul.f32 v5, v4;
	v5 =	vld [tilespmem:s10+$0xFFFFFF80]  }
0x1b6: {  	[tilespmem:s10+$0xFFFFFF20] =	vst v1;
	v1 =	vmul.f32 v9, v2;
	v2 =	vld [tilespmem:s10+$0xFFFFFF90]  }
0x1b7: {  	[tilespmem:s10+$0xFFFFFF30] =	vst v4;
	v3 =	vmul.f32 v9, v3;
	v4 =	vld [tilespmem:s10+$0xFFFFFFA0]  }
0x1b8: {  	v10 =	vld [tilespmem:s10+$0xFFFFFFB0];
	[tilespmem:s10+$0xFFFFFF40] =	vst v1;
	v1 =	vmul.f32 v9, v15  }
0x1b9: {  	[tilespmem:s10+$0xFFFFFF50] =	vst v3;
	v3 =	vmul.f32 v9, v8;
	v8 =	vld [tilespmem:s10+$0xFFFFFFC0]  }
0x1ba: {  	[tilespmem:s10+$0xFFFFFF60] =	vst v1;
	v1 =	vmul.f32 v11, v5;
	v5 =	vld [tilespmem:s10+$0xFFFFFFD0]  }
0x1bb: {  	v2 =	vmul.f32 v11, v2;
	[tilespmem:s10+$0xFFFFFF70] =	vst v3;
	v3 =	vld [tilespmem:s10+$0xFFFFFFE0]  }
0x1bc: {  	[tilespmem:s10+$0xFFFFFF80] =	vst v1;
	v1 =	vmul.f32 v11, v4;
	v4 =	vld [tilespmem:s10+$0xFFFFFFF0]  }
0x1bd: {  	[tilespmem:s10+$0xFFFFFF90] =	vst v2;
	v2 =	vmul.f32 v11, v10;
	v9 =	vld [tilespmem:s10+$0x0]  }
0x1be: {  	[tilespmem:s10+$0xFFFFFFA0] =	vst v1;
	v1 =	vmul.f32 v16, v8;
	v8 =	vld [tilespmem:s10+$0x10]  }
0x1bf: {  	[tilespmem:s10+$0xFFFFFFB0] =	vst v2;
	v2 =	vmul.f32 v16, v5;
	v5 =	vld [tilespmem:s10+$0x20]  }
0x1c0: {  	[tilespmem:s10+$0xFFFFFFC0] =	vst v1;
	v1 =	vmul.f32 v16, v3;
	v3 =	vld [tilespmem:s10+$0x30]  }
0x1c1: {  	[tilespmem:s10+$0xFFFFFFD0] =	vst v2;
	v2 =	vmul.f32 v16, v4;
	v4 =	vld [tilespmem:s10+$0x40]  }
0x1c2: {  	[tilespmem:s10+$0xFFFFFFE0] =	vst v1;
	v1 =	vmul.f32 v12, v9;
	v9 =	vld [tilespmem:s10+$0x50]  }
0x1c3: {  	[tilespmem:s10+$0xFFFFFFF0] =	vst v2;
	v2 =	vmul.f32 v12, v8;
	v8 =	vld [tilespmem:s10+$0x60]  }
0x1c4: {  	[tilespmem:s10+$0x0] =	vst v1;
	v1 =	vmul.f32 v12, v5;
	v5 =	vld [tilespmem:s10+$0x70]  }
0x1c5: {  	[tilespmem:s10+$0x10] =	vst v2;
	v2 =	vmul.f32 v12, v3;
	v3 =	vld [tilespmem:s10+$0x80]  }
0x1c6: {  	[tilespmem:s10+$0x20] =	vst v1;
	v1 =	vmul.f32 v6, v4;
	v4 =	vld [tilespmem:s10+$0x90]  }
0x1c7: {  	[tilespmem:s10+$0x30] =	vst v2;
	v2 =	vmul.f32 v6, v9;
	v9 =	vld [tilespmem:s10+$0xA0]  }
0x1c8: {  	[tilespmem:s10+$0x40] =	vst v1;
	v1 =	vmul.f32 v6, v8;
	v8 =	vld [tilespmem:s10+$0xB0]  }
0x1c9: {  	[tilespmem:s10+$0x50] =	vst v2;
	v2 =	vmul.f32 v6, v5;
	v5 =	vld [tilespmem:s10+$0xC0]  }
0x1ca: {  	[tilespmem:s10+$0x60] =	vst v1;
	v1 =	vmul.f32 v13, v3;
	v3 =	vld [tilespmem:s10+$0xD0]  }
0x1cb: {  	[tilespmem:s10+$0x70] =	vst v2;
	v2 =	vmul.f32 v13, v4;
	v4 =	vld [tilespmem:s10+$0xE0]  }
0x1cc: {  	[tilespmem:s10+$0x80] =	vst v1;
	v1 =	vmul.f32 v13, v9  }
0x1cd: {  	[tilespmem:s10+$0x90] =	vst v2;
	v2 =	vmul.f32 v13, v8  }
0x1ce: {  	[tilespmem:s10+$0xA0] =	vst v1;
	v1 =	vmul.f32 v7, v5  }
0x1cf: {  	[tilespmem:s10+$0xB0] =	vst v2;
	v2 =	vmul.f32 v7, v3  }
0x1d0: {  	[tilespmem:s10+$0xC0] =	vst v1;
	v1 =	vmul.f32 v7, v4  }
0x1d1: {  	[tilespmem:s10+$0xD0] =	vst v2  }
0x1d2: {  	[tilespmem:s10+$0xE0] =	vst v1  }
0x1d3: {  	[spmem:s4] =	stream.indirect.scatter.add.f32 [tilespmem:s23], [sflag:$0x3], $0x40, s15, s22, $0xb8;
	[tilespmem:$0x18400] =	vst v63  }
0x1d4: {  	s19 =	simm.s32 $0x2;
	_ =	swait.ge [sflag:s30], $0x2000  }
0x1d5: {  	s20 =	simm.s32 $0x3;
	v3 =	vmov s19;
	s19 =	simm.s32 $0x4;
	[sflag:s30] =	ssyncset.done $0x0  }
0x1d6: {  	v4 =	vmov s20;
	s20 =	simm.s32 $0x5;
	s10 =	simm.s32 @!p0 $0x5;
	[sflag:s30] =	ssyncadd.s32 $0xFFFFE000  }
0x1d7: {  	s18 =	simm.s32 $0x0;
	v5 =	vmov s19;
	s19 =	simm.s32 $0x6;
	v3 =	vshrl.u32 v3, $0x3;
	v6 =	vmov s20;
	_ =	swait.ge @!p0 [sflag:s10], $0x200  }
0x1d8: {  	v7 =	vmov s19;
	v4 =	vshrl.u32 v4, $0x3;
	v1 =	vmov s18;
	s18 =	simm.s32 $0x1;
	[sflag:s10] =	ssyncset.done @!p0 $0x0  }
0x1d9: {  	v5 =	vshrl.u32 v5, $0x3;
	v2 =	vmov s18;
	v1 =	vshrl.u32 v1, $0x3;
	[sflag:s10] =	ssyncadd.s32 @!p0 $0xFFFFFE00;
	s10 =	simm.s32 @!p0 $0x3  }
0x1da: {  	v3 =	vshll.u32 v3, v0;
	v1 =	vshll.u32 v1, v0;
	v2 =	vshrl.u32 v2, $0x3;
	_ =	swait.ge @!p0 [sflag:s10], $0x2000  }
0x1db: {  	s19 =	simm.s32 @!p0 $0x800;
	v6 =	vshrl.u32 v6, $0x3;
	v1 =	vadd.s32 $0x680, v1;
	v2 =	vshll.u32 v2, v0;
	[sflag:s10] =	ssyncset.done @!p0 $0x0  }
0x1dc: {  	v7 =	vshrl.u32 v7, $0x3;
	s18 =	simm.s32 @!p0 $0x0;
	v1 =	vbroadcast v1, $0x0;
	v2 =	vadd.s32 $0x681, v2;
	[sflag:s10] =	ssyncadd.s32 @!p0 $0xFFFFE000;
	s10 =	simm.s32 @!p0 $0x80  }
0x1dd: {  	v4 =	vshll.u32 v4, v0;
	v3 =	vadd.s32 $0x682, v3;
	v2 =	vbroadcast v2, $0x0;
	[tilespmem:s19], [sflag:$0x1] =	stream.indirect.gather @!p0 [spmem:s3], $0x40, s18, s10, $0xb8;
	[tilespmem:$0x18400] =	vst v63  }
0x1de: {  	v5 =	vshll.u32 v5, v0;
	v4 =	vadd.s32 $0x683, v4;
	v3 =	vbroadcast v3, $0x0;
	s10 =	sadd.s32 @!p0 s21, s14  }
0x1df: {  	s20 =	simm.s32 $0x7;
	v6 =	vshll.u32 v6, v0;
	v5 =	vadd.s32 $0x684, v5;
	v4 =	vbroadcast v4, $0x0;
	s10 =	sshll.u32 @!p0 s10, $0x6  }
0x1e0: {  	v8 =	vmov s20;
	v6 =	vadd.s32 $0x685, v6;
	v5 =	vbroadcast v5, $0x0;
	s19 =	simm.s32 @!p0 $0x200;
	s10 =	sadd.s32 @!p0 s6, s10  }
0x1e1: {  	v7 =	vshll.u32 v7, v0;
	v8 =	vshrl.u32 v8, $0x3;
	v6 =	vbroadcast v6, $0x0;
	[tilespmem:s19], [sflag:$0x6] =	stream.linear.gather @!p0 [hbm4b:s10+s18], $0x200, $0x38;
	[tilespmem:$0x18400] =	vst v63  }
0x1e2: {  	v7 =	vadd.s32 $0x686, v7;
	v8 =	vshll.u32 v8, v0;
	v9 =	vld.idx.msk [tilespmem:v1+s5+$0x0], $0xffff  }
0x1e3: {  	v1 =	vbroadcast v7, $0x0;
	v7 =	vadd.s32 $0x687, v8;
	v8 =	vld.idx.msk [tilespmem:v2+s5+$0x0], $0xffff  }
0x1e4: {  	v10 =	vld.idx.msk [tilespmem:v3+s5+$0x0], $0xffff  }
0x1e5: {  	v4 =	vld.idx.msk [tilespmem:v4+s5+$0x0], $0xffff;
	v7 =	vbroadcast v7, $0x0  }
0x1e6: {  	v11 =	vld.idx.msk [tilespmem:v5+s5+$0x0], $0xffff  }
0x1e7: {  	s20 =	simm.s32 $0x29F0;
	v3 =	vld.idx.msk [tilespmem:v6+s5+$0x0], $0xffff  }
0x1e8: {  	v5 =	vld [tilespmem:s20+$0x0]  }
0x1e9: {  	v6 =	vld [tilespmem:s20+$0xFFFFFE10]  }
0x1ea: {  	v2 =	vld.idx.msk [tilespmem:v1+s5+$0x0], $0xffff  }
0x1eb: {  	v1 =	vld.idx.msk [tilespmem:v7+s5+$0x0], $0xffff  }
0x1ec: {  	v7 =	vld [tilespmem:s20+$0xFFFFFE20]  }
0x1ed: {  	v12 =	vld [tilespmem:s20+$0xFFFFFE30]  }
0x1ee: {  	v13 =	vld [tilespmem:s20+$0xFFFFFE40]  }
0x1ef: {  	v14 =	vld [tilespmem:s20+$0xFFFFFE50];
	v6 =	vmul.f32 v9, v6  }
0x1f0: {  	v15 =	vld [tilespmem:s20+$0xFFFFFE60];
	v5 =	vmul.f32 v1, v5  }
0x1f1: {  	v16 =	vld [tilespmem:s20+$0xFFFFFE70];
	[tilespmem:s20+$0xFFFFFE10] =	vst v6;
	v7 =	vmul.f32 v9, v7  }
0x1f2: {  	v6 =	vld [tilespmem:s20+$0xFFFFFE80];
	[tilespmem:s20+$0x0] =	vst v5;
	v5 =	vmul.f32 v9, v12  }
0x1f3: {  	[tilespmem:s20+$0xFFFFFE20] =	vst v7;
	v7 =	vmul.f32 v9, v13;
	v9 =	vld [tilespmem:s20+$0xFFFFFE90]  }
0x1f4: {  	v12 =	vld [tilespmem:s20+$0xFFFFFEA0];
	[tilespmem:s20+$0xFFFFFE30] =	vst v5;
	v5 =	vmul.f32 v8, v14  }
0x1f5: {  	v13 =	vld [tilespmem:s20+$0xFFFFFEB0];
	[tilespmem:s20+$0xFFFFFE40] =	vst v7;
	v7 =	vmul.f32 v8, v15  }
0x1f6: {  	s21 =	simm.s32 $0x8;
	v14 =	vld [tilespmem:s20+$0xFFFFFEC0];
	[tilespmem:s20+$0xFFFFFE50] =	vst v5;
	v5 =	vmul.f32 v8, v16  }
0x1f7: {  	v6 =	vmul.f32 v8, v6;
	v15 =	vmov s21;
	s21 =	simm.s32 $0xB;
	[tilespmem:s20+$0xFFFFFE60] =	vst v7;
	v7 =	vld [tilespmem:s20+$0xFFFFFED0]  }
0x1f8: {  	s18 =	simm.s32 $0x9;
	s19 =	simm.s32 $0xA;
	v17 =	vmov s21;
	v8 =	vshrl.u32 v15, $0x3;
	[tilespmem:s20+$0xFFFFFE70] =	vst v5;
	v5 =	vmul.f32 v10, v9;
	v9 =	vld [tilespmem:s20+$0xFFFFFEE0]  }
0x1f9: {  	[tilespmem:s20+$0xFFFFFE80] =	vst v6;
	s21 =	simm.s32 $0xE;
	v15 =	vmov s18;
	v16 =	vmov s19;
	s18 =	simm.s32 $0xC;
	v6 =	vmul.f32 v10, v12;
	v12 =	vld [tilespmem:s20+$0xFFFFFEF0]  }
0x1fa: {  	s19 =	simm.s32 $0xD;
	v62 =	vmov s21;
	v18 =	vmov s18;
	[tilespmem:s20+$0xFFFFFE90] =	vst v5;
	v5 =	vmul.f32 v10, v13;
	v13 =	vld [tilespmem:s20+$0xFFFFFF00]  }
0x1fb: {  	v19 =	vmov s19;
	v8 =	vshll.u32 v8, v0;
	[tilespmem:s20+$0xFFFFFEA0] =	vst v6;
	v6 =	vmul.f32 v10, v14;
	v10 =	vld [tilespmem:s20+$0xFFFFFF10]  }
0x1fc: {  	v8 =	vadd.s32 $0x680, v8;
	v14 =	vshrl.u32 v15, $0x3;
	[tilespmem:s20+$0xFFFFFEB0] =	vst v5;
	v5 =	vmul.f32 v4, v7;
	v7 =	vld [tilespmem:s20+$0xFFFFFF20]  }
0x1fd: {  	v15 =	vshrl.u32 v16, $0x3;
	v16 =	vshrl.u32 v17, $0x3;
	[tilespmem:s20+$0xFFFFFEC0] =	vst v6;
	v6 =	vmul.f32 v4, v9;
	v9 =	vld [tilespmem:s20+$0xFFFFFF30]  }
0x1fe: {  	v17 =	vshrl.u32 v18, $0x3;
	v18 =	vshrl.u32 v19, $0x3;
	[tilespmem:s20+$0xFFFFFED0] =	vst v5;
	v5 =	vmul.f32 v4, v12;
	v12 =	vld [tilespmem:s20+$0xFFFFFF40]  }
0x1ff: {  	v19 =	vshrl.u32 v62, $0x3;
	v14 =	vshll.u32 v14, v0;
	[tilespmem:s20+$0xFFFFFEE0] =	vst v6;
	v4 =	vmul.f32 v4, v13;
	v13 =	vld [tilespmem:s20+$0xFFFFFF50]  }
0x200: {  	v15 =	vshll.u32 v15, v0;
	v16 =	vshll.u32 v16, v0;
	v6 =	vmul.f32 v11, v10;
	v10 =	vld [tilespmem:s20+$0xFFFFFF60];
	[tilespmem:s20+$0xFFFFFEF0] =	vst v5  }
0x201: {  	v63 =	vld [tilespmem:s20+$0xFFFFFF70];
	v17 =	vshll.u32 v17, v0;
	v18 =	vshll.u32 v18, v0;
	[tilespmem:s20+$0xFFFFFF00] =	vst v4;
	v4 =	vmul.f32 v11, v7  }
0x202: {  	v19 =	vshll.u32 v19, v0;
	v16 =	vadd.s32 $0x683, v16;
	[tilespmem:s20+$0xFFFFFF10] =	vst v6;
	v6 =	vld [tilespmem:s20+$0xFFFFFF80];
	v7 =	vmul.f32 v11, v9  }
0x203: {  	v5 =	vbroadcast v8, $0x0;
	v8 =	vadd.s32 $0x681, v14;
	[tilespmem:s20+$0xFFFFFF20] =	vst v4;
	v11 =	vmul.f32 v11, v12;
	v4 =	vld [tilespmem:s20+$0xFFFFFF90]  }
0x204: {  	v14 =	vadd.s32 $0x682, v15;
	v12 =	vadd.s32 $0x684, v17;
	[tilespmem:s20+$0xFFFFFF30] =	vst v7;
	v17 =	vmul.f32 v3, v13;
	v7 =	vld [tilespmem:s20+$0xFFFFFFA0]  }
0x205: {  	v9 =	vbroadcast v8, $0x0;
	v8 =	vld [tilespmem:s20+$0xFFFFFFB0];
	v13 =	vadd.s32 $0x685, v18;
	v15 =	vmul.f32 v3, v10;
	[tilespmem:s20+$0xFFFFFF40] =	vst v11  }
0x206: {  	s10 =	simm.s32 $0x10;
	s19 =	simm.s32 $0xF;
	v10 =	vld [tilespmem:s20+$0xFFFFFFC0];
	v11 =	vbroadcast v14, $0x0;
	v14 =	vadd.s32 $0x686, v19;
	[tilespmem:s20+$0xFFFFFF50] =	vst v17;
	v17 =	vmul.f32 v3, v63  }
.LBB2_9:
0x207: {  	p0 =	slt.u32 s10, $0x78;
	v16 =	vbroadcast v16, $0x0;
	v18 =	vmov s19;
	[tilespmem:s20+$0xFFFFFF60] =	vst v15;
	v3 =	vmul.f32 v3, v6;
	v6 =	vld [tilespmem:s20+$0xFFFFFFD0]  }
0x208: {  	v12 =	vbroadcast v12, $0x0;
	v15 =	vshrl.u32 v18, $0x3;
	[tilespmem:s20+$0xFFFFFF70] =	vst v17;
	v4 =	vmul.f32 v2, v4;
	v17 =	vld [tilespmem:s20+$0xFFFFFFE0]  }
0x209: {  	v13 =	vbroadcast v13, $0x0;
	v15 =	vshll.u32 v15, v0;
	[tilespmem:s20+$0xFFFFFF80] =	vst v3;
	v3 =	vmul.f32 v2, v7;
	v7 =	vld [tilespmem:s20+$0xFFFFFFF0]  }
0x20a: {  	v14 =	vbroadcast v14, $0x0;
	v5 =	vld.idx.msk [tilespmem:v5+s5+$0x0], $0xffff;
	v15 =	vadd.s32 $0x687, v15;
	[tilespmem:s20+$0xFFFFFF90] =	vst v4;
	v4 =	vmul.f32 v2, v8  }
0x20b: {  	v8 =	vld.idx.msk [tilespmem:v9+s5+$0x0], $0xffff;
	v9 =	vbroadcast v15, $0x0;
	[tilespmem:s20+$0xFFFFFFA0] =	vst v3;
	v2 =	vmul.f32 v2, v10  }
0x20c: {  	v10 =	vld.idx.msk [tilespmem:v11+s5+$0x0], $0xffff;
	[tilespmem:s20+$0xFFFFFFB0] =	vst v4;
	v3 =	vmul.f32 v1, v6  }
0x20d: {  	v6 =	vld.idx.msk [tilespmem:v16+s5+$0x0], $0xffff;
	[tilespmem:s20+$0xFFFFFFC0] =	vst v2;
	v2 =	vmul.f32 v1, v17  }
0x20e: {  	v4 =	vld.idx.msk [tilespmem:v12+s5+$0x0], $0xffff;
	[tilespmem:s20+$0xFFFFFFD0] =	vst v3;
	v1 =	vmul.f32 v1, v7  }
0x20f: {  	v3 =	vld.idx.msk [tilespmem:v13+s5+$0x0], $0xffff;
	[tilespmem:s20+$0xFFFFFFE0] =	vst v2  }
0x210: {  	v2 =	vld.idx.msk [tilespmem:v14+s5+$0x0], $0xffff;
	[tilespmem:s20+$0xFFFFFFF0] =	vst v1  }
0x211: {  	s20 =	sadd.s32 $0x200, s20;
	v1 =	vld.idx.msk [tilespmem:v9+s5+$0x0], $0xffff  }
0x212: {  	v7 =	vld [tilespmem:s20+$0x0]  }
0x213: {  	v9 =	vld [tilespmem:s20+$0xFFFFFE10]  }
0x214: {  	v11 =	vld [tilespmem:s20+$0xFFFFFE20]  }
0x215: {  	v12 =	vld [tilespmem:s20+$0xFFFFFE30]  }
0x216: {  	v13 =	vld [tilespmem:s20+$0xFFFFFE40]  }
0x217: {  	v14 =	vld [tilespmem:s20+$0xFFFFFE50];
	v7 =	vmul.f32 v1, v7  }
0x218: {  	v9 =	vmul.f32 v5, v9;
	v15 =	vld [tilespmem:s20+$0xFFFFFE60]  }
0x219: {  	v11 =	vmul.f32 v5, v11;
	v16 =	vld [tilespmem:s20+$0xFFFFFE70];
	[tilespmem:s20+$0x0] =	vst v7  }
0x21a: {  	[tilespmem:s20+$0xFFFFFE10] =	vst v9;
	v7 =	vmul.f32 v5, v12;
	v9 =	vld [tilespmem:s20+$0xFFFFFE80]  }
0x21b: {  	[tilespmem:s20+$0xFFFFFE20] =	vst v11;
	v5 =	vmul.f32 v5, v13;
	v11 =	vld [tilespmem:s20+$0xFFFFFE90]  }
0x21c: {  	[tilespmem:s20+$0xFFFFFE30] =	vst v7;
	v7 =	vmul.f32 v8, v14;
	v12 =	vld [tilespmem:s20+$0xFFFFFEA0]  }
0x21d: {  	[tilespmem:s20+$0xFFFFFE40] =	vst v5;
	v5 =	vmul.f32 v8, v15;
	v13 =	vld [tilespmem:s20+$0xFFFFFEB0]  }
0x21e: {  	[tilespmem:s20+$0xFFFFFE50] =	vst v7;
	v7 =	vmul.f32 v8, v16;
	v14 =	vld [tilespmem:s20+$0xFFFFFEC0]  }
0x21f: {  	s18 =	sadd.s32 $0x1, s10;
	v15 =	vmov s10;
	[tilespmem:s20+$0xFFFFFE60] =	vst v5;
	v5 =	vmul.f32 v8, v9;
	v8 =	vld [tilespmem:s20+$0xFFFFFED0]  }
0x220: {  	s19 =	sadd.s32 $0x3, s10;
	v9 =	vshrl.u32 v15, $0x3;
	v15 =	vmov s18;
	s18 =	sadd.s32 $0x2, s10;
	[tilespmem:s20+$0xFFFFFE70] =	vst v7;
	v7 =	vmul.f32 v10, v11;
	v11 =	vld [tilespmem:s20+$0xFFFFFEE0]  }
0x221: {  	v17 =	vmov s19;
	s19 =	sadd.s32 $0x5, s10;
	v16 =	vmov s18;
	s18 =	sadd.s32 $0x4, s10;
	[tilespmem:s20+$0xFFFFFE80] =	vst v5;
	v5 =	vmul.f32 v10, v12;
	v12 =	vld [tilespmem:s20+$0xFFFFFEF0]  }
0x222: {  	v19 =	vmov s19;
	v18 =	vmov s18;
	s18 =	sadd.s32 $0x6, s10;
	[tilespmem:s20+$0xFFFFFE90] =	vst v7;
	v7 =	vmul.f32 v10, v13;
	v13 =	vld [tilespmem:s20+$0xFFFFFF00]  }
0x223: {  	v9 =	vshll.u32 v9, v0;
	v20 =	vmov s18;
	[tilespmem:s20+$0xFFFFFEA0] =	vst v5;
	v5 =	vmul.f32 v10, v14;
	v10 =	vld [tilespmem:s20+$0xFFFFFF10]  }
0x224: {  	v14 =	vshrl.u32 v15, $0x3;
	v15 =	vshrl.u32 v16, $0x3;
	[tilespmem:s20+$0xFFFFFEB0] =	vst v7;
	v7 =	vmul.f32 v6, v8;
	v8 =	vld [tilespmem:s20+$0xFFFFFF20]  }
0x225: {  	v16 =	vshrl.u32 v17, $0x3;
	v17 =	vshrl.u32 v18, $0x3;
	[tilespmem:s20+$0xFFFFFEC0] =	vst v5;
	v5 =	vmul.f32 v6, v11;
	v11 =	vld [tilespmem:s20+$0xFFFFFF30]  }
0x226: {  	v18 =	vshrl.u32 v19, $0x3;
	v19 =	vshrl.u32 v20, $0x3;
	[tilespmem:s20+$0xFFFFFED0] =	vst v7;
	v7 =	vmul.f32 v6, v12;
	v12 =	vld [tilespmem:s20+$0xFFFFFF40]  }
0x227: {  	v9 =	vadd.s32 $0x680, v9;
	v14 =	vshll.u32 v14, v0;
	[tilespmem:s20+$0xFFFFFEE0] =	vst v5;
	v5 =	vmul.f32 v6, v13;
	v13 =	vld [tilespmem:s20+$0xFFFFFF50]  }
0x228: {  	v15 =	vshll.u32 v15, v0;
	v16 =	vshll.u32 v16, v0;
	[tilespmem:s20+$0xFFFFFEF0] =	vst v7;
	v6 =	vmul.f32 v4, v10;
	v10 =	vld [tilespmem:s20+$0xFFFFFF60]  }
0x229: {  	v7 =	vshll.u32 v17, v0;
	v17 =	vshll.u32 v18, v0;
	[tilespmem:s20+$0xFFFFFF00] =	vst v5;
	v8 =	vmul.f32 v4, v8;
	v18 =	vld [tilespmem:s20+$0xFFFFFF70]  }
.Ltmp3:
0x22a: {  	v19 =	vshll.u32 v19, v0;
	v5 =	vbroadcast v9, $0x0;
	[tilespmem:s20+$0xFFFFFF10] =	vst v6;
	v9 =	vmul.f32 v4, v11;
	v6 =	vld [tilespmem:s20+$0xFFFFFF80];
	(pc) =	sbr.rel @p0 .LBB2_9-.Ltmp3, $4  }
0x22b: {  	v11 =	vadd.s32 $0x681, v14;
	v14 =	vadd.s32 $0x682, v15;
	[tilespmem:s20+$0xFFFFFF20] =	vst v8;
	v8 =	vmul.f32 v4, v12;
	v4 =	vld [tilespmem:s20+$0xFFFFFF90]  }
0x22c: {  	v16 =	vadd.s32 $0x683, v16;
	v12 =	vadd.s32 $0x684, v7;
	[tilespmem:s20+$0xFFFFFF30] =	vst v9;
	v20 =	vmul.f32 v3, v13;
	v7 =	vld [tilespmem:s20+$0xFFFFFFA0]  }
0x22d: {  	v9 =	vbroadcast v11, $0x0;
	v13 =	vadd.s32 $0x685, v17;
	[tilespmem:s20+$0xFFFFFF40] =	vst v8;
	v15 =	vmul.f32 v3, v10;
	v8 =	vld [tilespmem:s20+$0xFFFFFFB0]  }
0x22e: {  	s19 =	sadd.s32 $0x7, s10;
	s10 =	sadd.s32 $0x8, s10;
	v11 =	vbroadcast v14, $0x0;
	v14 =	vadd.s32 $0x686, v19;
	[tilespmem:s20+$0xFFFFFF50] =	vst v20;
	v17 =	vmul.f32 v3, v18;
	v10 =	vld [tilespmem:s20+$0xFFFFFFC0]  }
0x22f: {  	_ = 	snop  }
0x230: {  	v19 =	vld [tilespmem:s20+$0xFFFFFFD0]  }
0x231: {  	v20 =	vld [tilespmem:s20+$0xFFFFFFE0]  }
0x232: {  	v21 =	vld [tilespmem:s20+$0xFFFFFFF0]  }
0x233: {  	v5 =	vld.idx.msk [tilespmem:v5+s5+$0x0], $0xffff  }
0x234: {  	v9 =	vld.idx.msk [tilespmem:v9+s5+$0x0], $0xffff  }
0x235: {  	s10 =	sadd.s32 $0x200, s20;
	v11 =	vld.idx.msk [tilespmem:v11+s5+$0x0], $0xffff  }
0x236: {  	v39 =	vld [tilespmem:s10+$0x0]  }
0x237: {  	v18 =	vmov s19;
	v3 =	vmul.f32 v3, v6;
	v41 =	vld [tilespmem:s10+$0xFFFFFE20]  }
0x238: {  	[tilespmem:s20+$0xFFFFFF60] =	vst v15;
	v18 =	vshrl.u32 v18, $0x3;
	v42 =	vld [tilespmem:s10+$0xFFFFFE30]  }
0x239: {  	v43 =	vld [tilespmem:s10+$0xFFFFFE40];
	v18 =	vshll.u32 v18, v0;
	[tilespmem:s20+$0xFFFFFF80] =	vst v3;
	v3 =	vmul.f32 v2, v7  }
0x23a: {  	[tilespmem:s20+$0xFFFFFF70] =	vst v17;
	v4 =	vmul.f32 v2, v4;
	v44 =	vld [tilespmem:s10+$0xFFFFFE70];
	v18 =	vadd.s32 $0x687, v18;
	v38 =	vmul.f32 v2, v8  }
0x23b: {  	v18 =	vbroadcast v18, $0x0;
	[tilespmem:s20+$0xFFFFFFA0] =	vst v3;
	v2 =	vmul.f32 v2, v10;
	v3 =	vld [tilespmem:s10+$0xFFFFFE10]  }
0x23c: {  	v45 =	vld [tilespmem:s10+$0xFFFFFE80];
	[tilespmem:s20+$0xFFFFFF90] =	vst v4  }
0x23d: {  	v46 =	vld [tilespmem:s10+$0xFFFFFE90];
	[tilespmem:s20+$0xFFFFFFC0] =	vst v2;
	v2 =	vmul.f32 v1, v20  }
0x23e: {  	v47 =	vld [tilespmem:s10+$0xFFFFFEB0];
	[tilespmem:s20+$0xFFFFFFB0] =	vst v38;
	v40 =	vmul.f32 v1, v19;
	v1 =	vmul.f32 v1, v21  }
0x23f: {  	[tilespmem:s20+$0xFFFFFFE0] =	vst v2;
	v2 =	vld [tilespmem:s10+$0xFFFFFE50]  }
0x240: {  	[tilespmem:s20+$0xFFFFFFF0] =	vst v1;
	v1 =	vmul.f32 v5, v3;
	v3 =	vld [tilespmem:s10+$0xFFFFFE60]  }
0x241: {  	v10 =	vmul.f32 v5, v41;
	[tilespmem:s20+$0xFFFFFFD0] =	vst v40;
	v37 =	vld.idx.msk [tilespmem:v18+s5+$0x0], $0xffff  }
0x242: {  	v16 =	vbroadcast v16, $0x0;
	v48 =	vld [tilespmem:s10+$0xFFFFFEC0];
	[tilespmem:s10+$0xFFFFFE10] =	vst v1;
	v1 =	vmul.f32 v5, v42  }
0x243: {  	v49 =	vld [tilespmem:s10+$0xFFFFFED0];
	v4 =	vmul.f32 v5, v43;
	[tilespmem:s10+$0xFFFFFE20] =	vst v10  }
0x244: {  	v50 =	vld [tilespmem:s10+$0xFFFFFEE0];
	[tilespmem:s10+$0xFFFFFE30] =	vst v1;
	v1 =	vmul.f32 v9, v2  }
0x245: {  	[tilespmem:s10+$0xFFFFFE40] =	vst v4;
	v2 =	vld [tilespmem:s10+$0xFFFFFEA0];
	v3 =	vmul.f32 v9, v3  }
0x246: {  	v12 =	vbroadcast v12, $0x0;
	v51 =	vld [tilespmem:s10+$0xFFFFFF00];
	v8 =	vmul.f32 v37, v39;
	[tilespmem:s10+$0xFFFFFE50] =	vst v1  }
0x247: {  	v52 =	vld [tilespmem:s10+$0xFFFFFF10];
	v1 =	vmul.f32 v9, v44;
	[tilespmem:s10+$0xFFFFFE60] =	vst v3  }
0x248: {  	v16 =	vld.idx.msk [tilespmem:v16+s5+$0x0], $0xffff;
	v3 =	vmul.f32 v9, v45;
	[tilespmem:s10+$0x0] =	vst v8  }
0x249: {  	v53 =	vld [tilespmem:s10+$0xFFFFFF20];
	[tilespmem:s10+$0xFFFFFE70] =	vst v1;
	v1 =	vmul.f32 v11, v46  }
0x24a: {  	v13 =	vbroadcast v13, $0x0;
	[tilespmem:s10+$0xFFFFFE80] =	vst v3;
	v2 =	vmul.f32 v11, v2;
	v3 =	vld [tilespmem:s10+$0xFFFFFEF0]  }
0x24b: {  	v54 =	vld [tilespmem:s10+$0xFFFFFF30];
	[tilespmem:s10+$0xFFFFFE90] =	vst v1;
	v1 =	vmul.f32 v11, v47  }
0x24c: {  	v12 =	vld.idx.msk [tilespmem:v12+s5+$0x0], $0xffff;
	[tilespmem:s10+$0xFFFFFEA0] =	vst v2;
	v2 =	vmul.f32 v11, v48  }
0x24d: {  	v14 =	vbroadcast v14, $0x0;
	v55 =	vld [tilespmem:s10+$0xFFFFFF50];
	[tilespmem:s10+$0xFFFFFEB0] =	vst v1;
	v1 =	vmul.f32 v16, v49  }
0x24e: {  	v56 =	vld [tilespmem:s10+$0xFFFFFF60];
	[tilespmem:s10+$0xFFFFFEC0] =	vst v2;
	v2 =	vmul.f32 v16, v50  }
0x24f: {  	[tilespmem:s10+$0xFFFFFED0] =	vst v1;
	v1 =	vmul.f32 v16, v3;
	v3 =	vld [tilespmem:s10+$0xFFFFFF40]  }
0x250: {  	v35 =	vld.idx.msk [tilespmem:v13+s5+$0x0], $0xffff;
	[tilespmem:s10+$0xFFFFFEE0] =	vst v2;
	v2 =	vmul.f32 v16, v51  }
0x251: {  	v57 =	vld [tilespmem:s10+$0xFFFFFF70];
	[tilespmem:s10+$0xFFFFFEF0] =	vst v1;
	v1 =	vmul.f32 v12, v52  }
0x252: {  	v58 =	vld [tilespmem:s10+$0xFFFFFF80];
	[tilespmem:s10+$0xFFFFFF00] =	vst v2;
	v2 =	vmul.f32 v12, v53  }
0x253: {  	v36 =	vld.idx.msk [tilespmem:v14+s5+$0x0], $0xffff;
	[tilespmem:s10+$0xFFFFFF10] =	vst v1;
	v1 =	vmul.f32 v12, v54  }
0x254: {  	[tilespmem:s10+$0xFFFFFF20] =	vst v2;
	v2 =	vmul.f32 v12, v3;
	v3 =	vld [tilespmem:s10+$0xFFFFFF90]  }
0x255: {  	v59 =	vld [tilespmem:s10+$0xFFFFFFA0];
	[tilespmem:s10+$0xFFFFFF30] =	vst v1;
	v1 =	vmul.f32 v35, v55  }
0x256: {  	v60 =	vld [tilespmem:s10+$0xFFFFFFB0];
	[tilespmem:s10+$0xFFFFFF40] =	vst v2;
	v2 =	vmul.f32 v35, v56  }
0x257: {  	v61 =	vld [tilespmem:s10+$0xFFFFFFC0];
	[tilespmem:s10+$0xFFFFFF50] =	vst v1;
	v1 =	vmul.f32 v35, v57  }
0x258: {  	v62 =	vld [tilespmem:s10+$0xFFFFFFD0];
	[tilespmem:s10+$0xFFFFFF60] =	vst v2;
	v2 =	vmul.f32 v35, v58  }
0x259: {  	[tilespmem:s10+$0xFFFFFF70] =	vst v1;
	v1 =	vmul.f32 v36, v3;
	v3 =	vld [tilespmem:s10+$0xFFFFFFE0]  }
0x25a: {  	v63 =	vld [tilespmem:s10+$0xFFFFFFF0];
	[tilespmem:s10+$0xFFFFFF80] =	vst v2;
	v2 =	vmul.f32 v36, v59  }
0x25b: {  	[tilespmem:s10+$0xFFFFFF90] =	vst v1;
	v1 =	vmul.f32 v36, v60  }
0x25c: {  	s7 =	sadd.s32 $0x1, s7;
	[tilespmem:s10+$0xFFFFFFA0] =	vst v2;
	v2 =	vmul.f32 v36, v61  }
0x25d: {  	p0 =	sne.s32 s7, $0x28;
	[tilespmem:s10+$0xFFFFFFB0] =	vst v1;
	v1 =	vmul.f32 v37, v62  }
.Ltmp4:
0x25e: {  	[tilespmem:s10+$0xFFFFFFC0] =	vst v2;
	v2 =	vmul.f32 v37, v3;
	(pc) =	sbr.rel @p0 .LBB2_2-.Ltmp4, $4  }
0x25f: {  	[tilespmem:s10+$0xFFFFFFD0] =	vst v1;
	v1 =	vmul.f32 v37, v63  }
0x260: {  	[tilespmem:s10+$0xFFFFFFE0] =	vst v2  }
0x261: {  	[tilespmem:s10+$0xFFFFFFF0] =	vst v1  }
0x262: {  	[spmem:s4] =	stream.indirect.scatter.add.f32 [tilespmem:s26], [sflag:$0x4], $0x40, s16, s22, $0xb8;
	[tilespmem:$0x18400] =	vst v63  }
0x263: {  	_ =	swait.ge [sflag:s1], $0x2000  }
0x264: {  	[sflag:s1] =	ssyncset.done $0x0  }
0x265: {  	[sflag:s1] =	ssyncadd.s32 $0xFFFFE000  }
0x266: {  	_ =	swait.ge [sflag:s9], $0x2000  }
0x267: {  	[sflag:s9] =	ssyncset.done $0x0  }
0x268: {  	[sflag:s9] =	ssyncadd.s32 $0xFFFFE000  }
0x269: {  	[bflag:$0x0] =	sbarrier.arrive $0xFFFF  }
0x26a: {  	s10 =	rddreg [dreg:$0x8]  }
0x26b: {  	s7 =	rddreg [dreg:$0x9]  }
0x26c: {  	s19 =	simm.s32 $0x9;
	s20 =	rddreg [dreg:$0xc]  }
0x26d: {  	[hbm:s7], [sflag:s10] =	dma.local [spmem:s20], $0x13C0  }
0x26e: {  	_ =	swait.ge [sflag:s19], $0x13C0  }
0x26f: {  	s18 =	rddreg [dreg:$0xd]  }
0x270: {  	s21 =	rddreg [dreg:$0xa];
	s18 =	sadd.s32 $0x1, s18  }
0x271: {  	p0 =	sne.s32 s18, s21  }
.Ltmp5:
0x272: {  	_ = 	snop;
	(pc) =	sbr.rel @p0 .LBB2_1-.Ltmp5, $3  }
0x273: {  	_ =	sdelay $0x1  }
0x274: {  	[sflag:s19] =	ssyncset.done $0x0  }
0x275: {  	[sflag:s19] =	ssyncadd.s32 $0xFFFFEC40  }
0x276: {  	_ =	sfence.sel $0x180000  }
0x277: {  	[bflag:$0x0] =	sbarrier.arrive $0xFFFF  }
0x278: {  	_ =	strace $0x90000047  }
0x279: {  	s0 =	stileid.u32;
	[bflag:$0x2] =	sbarrier.arrive $0xFFFF  }
0x27a: {  	p0 =	sne.s32 s0, $0x0;
	s0 =	rddreg [dreg:$0x4]  }
0x27b: {  	s0 =	sadd.s32 @!p0 $0x100000, s0  }
0x27c: {  	[sflag:s0] =	ssyncadd.tile.s32 @!p0 $0x1;
	_ =	shalt  }
.Lfunc_end2:
_tile_overlayer_lowered:
.L_overlay_start_2:
0x27d: {  	(tag) =	ssettag $0x2  }
0x27e: {  	s0 =	rddreg [dreg:$0x0];
	s2 =	stileid.u32  }
0x27f: {  	s1 =	rddreg [dreg:$0x1];
	p0 =	sne.s32 s2, $0x0  }
0x280: {  	s3 =	rddreg [dreg:$0x2];
	[bflag:$0x3] =	sbarrier.arrive $0xFFFF;
	s2 =	simm.s32 @!p0 $0x1C09  }
0x281: {  	[timem:s3], [sflag:s2] =	dma.local @!p0 [hbm:s0], s1  }
0x282: {  	s0 =	simm.s32 @!p0 $0x9  }
0x283: {  	_ =	swait.ge @!p0 [sflag:s0], s1  }
0x284: {  	s1 =	ssub.s32 @!p0 $0x0, s1;
	[sflag:s0] =	ssyncset.done @!p0 $0x0  }
0x285: {  	[sflag:s0] =	ssyncadd.s32 @!p0 s1  }
0x286: {  	[bflag:$0x3] =	sbarrier.arrive $0xFFFF  }
0x287: {  	_ =	shalt  }

</sc_bundles>
